<compile_context>
chip_gen: v7x
topology: tpu7x:2x2x1
jax: 0.10.2.dev20260603
libtpu: 0.0.44.dev20260713+nightly
codegen_flags: <defaults>
</compile_context>

<pallas_src>
import functools

import jax
import jax.numpy as jnp
from jax import lax
from jax.experimental import pallas as pl
from jax.experimental.pallas import tpu as pltpu
from jax.experimental.pallas import tpu_sc as plsc

B, C, OUT = 1024, 256, 256
K = 16
EPS = 1e-12
BLK = 512
FBLK = 512
NC, NS = 2, 16
NW = NC * NS
RPW = B // NW
NCHUNK = C // 16


def _sort16(v, descending):
    return plsc.sort_key_val(v, v, descending=descending)[0]


def _row_stats(row_ref, r):
    chunks = [row_ref[r, pl.ds(16 * i, 16)] for i in range(NCHUNK)]
    sq = chunks[0] * chunks[0]
    for v in chunks[1:]:
        sq = sq + v * v
    tops, bots = [], []
    for j in range(NCHUNK // 2):
        a = _sort16(chunks[2 * j], False)
        b = _sort16(chunks[2 * j + 1], True)
        tops.append(jnp.maximum(a, b))
        bots.append(jnp.minimum(a, b))
    while len(tops) > 1:
        nt, nb = [], []
        for j in range(len(tops) // 2):
            ta = _sort16(tops[2 * j], False)
            tb = _sort16(tops[2 * j + 1], True)
            nt.append(jnp.maximum(ta, tb))
            ba = _sort16(bots[2 * j], True)
            bb = _sort16(bots[2 * j + 1], False)
            nb.append(jnp.minimum(ba, bb))
        tops, bots = nt, nb
    return jnp.sum(tops[0]), jnp.sum(bots[0]), jnp.sum(sq)


@functools.partial(
    pl.kernel,
    out_type=jax.ShapeDtypeStruct((B, 16), jnp.float32),
    mesh=plsc.VectorSubcoreMesh(
        core_axis_name="c", subcore_axis_name="s",
        num_cores=NC, num_subcores=NS),
    scratch_types=[
        pltpu.VMEM((RPW, C), jnp.float32),
        pltpu.VMEM((RPW, 16), jnp.float32),
    ],
    compiler_params=pltpu.CompilerParams(needs_layout_passes=False),
)
def _sc_stats(fh_hbm, out_hbm, rows_v, stats_v):
    c = lax.axis_index("c")
    s = lax.axis_index("s")
    wid = s * NC + c
    base = wid * RPW
    pltpu.sync_copy(fh_hbm.at[pl.ds(base, RPW)], rows_v)
    lane = lax.iota(jnp.int32, 16)

    @plsc.parallel_loop(0, RPW, 1, unroll=2)
    def body(r):
        topsum, botsum, sqsum = _row_stats(rows_v, r)
        outv = jnp.where(
            lane == 0, topsum,
            jnp.where(lane == 1, botsum, jnp.where(lane == 2, sqsum, 0.0)))
        stats_v[r, :] = outv
    pltpu.sync_copy(stats_v, out_hbm.at[pl.ds(base, RPW)])


def _tc_mm_body(f_rad, w, a_ref, bm_ref):
    fr = f_rad[...]
    sq_r = jnp.sum(fr * fr, axis=1, keepdims=True)
    nr = fr / jnp.maximum(jnp.sqrt(sq_r), EPS)
    p = jnp.maximum(nr, 0.0)
    m = jnp.minimum(nr, 0.0)
    x1 = jnp.concatenate([p, -m], axis=1)
    x2 = jnp.concatenate([m, -p], axis=1)
    wv = w[...]
    dims = (((1,), (1,)), ((), ()))
    a_ref[...] = lax.dot_general(
        x1, wv, dims, preferred_element_type=jnp.float32,
        precision=lax.Precision.DEFAULT).astype(jnp.bfloat16)
    bm_ref[...] = lax.dot_general(
        x2, wv, dims, preferred_element_type=jnp.float32,
        precision=lax.Precision.DEFAULT).astype(jnp.bfloat16)


def _tc_fin_body(a, bm, stats, radf, histof, b, token, out_ref):
    st = stats[...]
    denom = jnp.float32(K) * jnp.maximum(jnp.sqrt(st[:, 2:3]), EPS)
    tp = st[:, 0:1] / denom
    bt = st[:, 1:2] / denom
    flag = 1.0 - (radf[...] * histof[...]).reshape(-1, 1)
    out_ref[...] = (tp * a[...].astype(jnp.float32)
                    + bt * bm[...].astype(jnp.float32)
                    + b[...].reshape(1, OUT) + token[...] * flag)


@jax.jit
def kernel(f_rad, f_histo, rad_mask, histo_mask, W, b, token):
    stats = _sc_stats(f_histo)
    radf = rad_mask.astype(jnp.float32)
    histof = histo_mask.astype(jnp.float32)
    a, bm = pl.pallas_call(
        _tc_mm_body,
        grid=(B // BLK,),
        in_specs=[
            pl.BlockSpec((BLK, C), lambda i: (i, 0)),
            pl.BlockSpec((OUT, 2 * C), lambda i: (0, 0)),
        ],
        out_specs=[
            pl.BlockSpec((BLK, OUT), lambda i: (i, 0)),
            pl.BlockSpec((BLK, OUT), lambda i: (i, 0)),
        ],
        out_shape=[
            jax.ShapeDtypeStruct((B, OUT), jnp.bfloat16),
            jax.ShapeDtypeStruct((B, OUT), jnp.bfloat16),
        ],
    )(f_rad, W)
    return pl.pallas_call(
        _tc_fin_body,
        grid=(B // FBLK,),
        in_specs=[
            pl.BlockSpec((FBLK, OUT), lambda i: (i, 0)),
            pl.BlockSpec((FBLK, OUT), lambda i: (i, 0)),
            pl.BlockSpec((FBLK, 16), lambda i: (i, 0)),
            pl.BlockSpec((FBLK,), lambda i: (i,)),
            pl.BlockSpec((FBLK,), lambda i: (i,)),
            pl.BlockSpec((OUT,), lambda i: (0,)),
            pl.BlockSpec((1, OUT), lambda i: (0, 0)),
        ],
        out_specs=pl.BlockSpec((FBLK, OUT), lambda i: (i, 0)),
        out_shape=jax.ShapeDtypeStruct((B, OUT), jnp.float32),
    )(a, bm, stats, radf, histof, b, token)

# --- scband reference (transcript-rebuilt; emitter-appended) ---
"""Pipeline reference for scband-dynamic-positional-embedding-19859928776845 (READ-ONLY COPY).

The authoritative reference and input builder live on the scoring server;
editing this copy changes nothing except your own understanding.
"""

import jax, jax.numpy as jnp
import numpy as np

B, C, OUT = 1024, 256, 256
TOPK_POS, TOPK_NEG = 16, 16

def _normalize(x, eps=1e-12):
    n = jnp.linalg.norm(x, axis=1, keepdims=True)
    return x / jnp.maximum(n, eps)

def setup_inputs(seed: int = 0) -> dict:
    key = jax.random.key(seed)
    k1, k2, k3, k4, k5 = jax.random.split(key, 5)
    f_rad = jax.random.normal(k1, (B, C), dtype=jnp.float32)
    f_histo = jax.random.normal(k2, (B, C), dtype=jnp.float32)
    rad_mask = jax.random.randint(k3, (B,), 0, 2).astype(bool)
    histo_mask = jax.random.randint(k4, (B,), 0, 2).astype(bool)
    W = jax.random.normal(k5, (OUT, 2 * C), dtype=jnp.float32) * (1.0 / np.sqrt(2 * C))
    b = jnp.zeros((OUT,), dtype=jnp.float32)
    token = jnp.zeros((1, OUT), dtype=jnp.float32)
    return {"f_rad": f_rad, "f_histo": f_histo, "rad_mask": rad_mask,
            "histo_mask": histo_mask, "W": W, "b": b, "token": token}

def reference(f_rad, f_histo, rad_mask, histo_mask, W, b, token):
    nr = _normalize(f_rad)
    nh = _normalize(f_histo)
    sim = jnp.einsum('bi,bj->bij', nr, nh)[:, None, :, :]  # [B,1,C,C]
    pos_map = jnp.mean(jax.lax.top_k(sim, TOPK_POS)[0], axis=-1)   # [B,1,C]
    neg_map = jnp.mean(jax.lax.top_k(-sim, TOPK_NEG)[0], axis=-1)  # [B,1,C]
    class_layers = jnp.concatenate([pos_map, neg_map], axis=1)     # [B,2,C]
    flat = class_layers.reshape(class_layers.shape[0], -1)          # [B,2C]
    pos_embedding = flat @ W.T + b                                  # [B,OUT]
    modality_flags = jnp.logical_not(jnp.logical_and(rad_mask, histo_mask))
    adjusted = pos_embedding + token * modality_flags[:, None].astype(jnp.float32)
    return adjusted

if __name__ == "__main__":
    import jax
    _d = setup_inputs()
    print(jax.jit(kernel)(*tuple(_d.values())))

</pallas_src>

<mosaic_0001>
#map = affine_map<(d0, d1) -> (0, 0)>
module attributes {stable_mosaic.version = 14 : i64} {
  func.func @_sc_stats(%arg0: i32, %arg1: i32, %arg2: memref<1024x256xf32, #tpu.memory_space<hbm>>, %arg3: memref<1024x16xf32, #tpu.memory_space<hbm>>, %arg4: memref<32x256xf32, #tpu.memory_space<vmem>>, %arg5: memref<32x16xf32, #tpu.memory_space<vmem>>) attributes {dimension_semantics = [#tpu.dimension_semantics<core_parallel>, #tpu.dimension_semantics<subcore_parallel>], iteration_bounds = array<i64: 2, 16>, scalar_prefetch = 0 : i64, scratch_operands = 2 : i64, tpu.core_type = #tpu.core_type<sc_vector_subcore>, window_params = [{transform_indices = #map}, {transform_indices = #map}]} {
    %mul3A = arith.constant 2 : i32
    %mul3A_0 = arith.muli %arg1, %mul3A : i32
    %add3A = arith.addi %mul3A_0, %arg0 : i32
    %mul3A_1 = arith.constant 32 : i32
    %mul3A_2 = arith.muli %add3A, %mul3A_1 : i32
    "tpu.region"() ({
      %run_scoped3A = tpu.sem_alloc : memref<!tpu.dma_semaphore, #tpu.memory_space<semaphore_mem>>
      %dma_start3A = arith.constant 0 : i32
      %dma_start3A_5 = tpu.memref_slice %arg2[%mul3A_2, %dma_start3A] : memref<1024x256xf32, #tpu.memory_space<hbm>> -> memref<32x256xf32, #tpu.memory_space<hbm>>
      %dma_start3A_6 = arith.constant 0 : i32
      %dma_start3A_7 = tpu.memref_slice %arg2[%mul3A_2, %dma_start3A_6] : memref<1024x256xf32, #tpu.memory_space<hbm>> -> memref<32x256xf32, #tpu.memory_space<hbm>>
      tpu.enqueue_dma source(%dma_start3A_7 : memref<32x256xf32, #tpu.memory_space<hbm>>) target(%arg4 : memref<32x256xf32, #tpu.memory_space<vmem>>) target_semaphore(%run_scoped3A : memref<!tpu.dma_semaphore, #tpu.memory_space<semaphore_mem>>)
      %dma_wait3A = arith.constant 0 : i32
      %dma_wait3A_8 = tpu.memref_slice %arg2[%mul3A_2, %dma_wait3A] : memref<1024x256xf32, #tpu.memory_space<hbm>> -> memref<32x256xf32, #tpu.memory_space<hbm>>
      %dma_wait3A_9 = arith.constant 0 : i32
      %dma_wait3A_10 = tpu.memref_slice %arg2[%mul3A_2, %dma_wait3A_9] : memref<1024x256xf32, #tpu.memory_space<hbm>> -> memref<32x256xf32, #tpu.memory_space<hbm>>
      tpu.wait_dma2 semaphore(%run_scoped3A : memref<!tpu.dma_semaphore, #tpu.memory_space<semaphore_mem>>) src(%dma_wait3A_10 : memref<32x256xf32, #tpu.memory_space<hbm>>) dst(%arg4 : memref<32x256xf32, #tpu.memory_space<vmem>>)
      tpu.yield
    }) : () -> ()
    %iota3A = tpu.iota {dimensions = array<i32: 0>} : vector<16xi32>
    %parallel_loop3A = arith.constant 0 : i32
    %parallel_loop3A_3 = arith.constant 32 : i32
    %parallel_loop3A_4 = arith.constant 1 : i32
    scf.for %parallel_loop3A_5 = %parallel_loop3A to %parallel_loop3A_3 step %parallel_loop3A_4  : i32 {
      %parallel_loop3A_6 = arith.index_cast %parallel_loop3A_5 : i32 to index
      %parallel_loop3A_7 = arith.constant 0 : index
      %parallel_loop3A_8 = tpu.vector_load %arg4[%parallel_loop3A_6, %parallel_loop3A_7] {strides = array<i32>} : memref<32x256xf32, #tpu.memory_space<vmem>>, vector<16xf32>,
      %parallel_loop3A_9 = arith.index_cast %parallel_loop3A_5 : i32 to index
      %parallel_loop3A_10 = arith.constant 16 : index
      %parallel_loop3A_11 = tpu.vector_load %arg4[%parallel_loop3A_9, %parallel_loop3A_10] {strides = array<i32>} : memref<32x256xf32, #tpu.memory_space<vmem>>, vector<16xf32>,
      %parallel_loop3A_12 = arith.index_cast %parallel_loop3A_5 : i32 to index
      %parallel_loop3A_13 = arith.constant 32 : index
      %parallel_loop3A_14 = tpu.vector_load %arg4[%parallel_loop3A_12, %parallel_loop3A_13] {strides = array<i32>} : memref<32x256xf32, #tpu.memory_space<vmem>>, vector<16xf32>,
      %parallel_loop3A_15 = arith.index_cast %parallel_loop3A_5 : i32 to index
      %parallel_loop3A_16 = arith.constant 48 : index
      %parallel_loop3A_17 = tpu.vector_load %arg4[%parallel_loop3A_15, %parallel_loop3A_16] {strides = array<i32>} : memref<32x256xf32, #tpu.memory_space<vmem>>, vector<16xf32>,
      %parallel_loop3A_18 = arith.index_cast %parallel_loop3A_5 : i32 to index
      %parallel_loop3A_19 = arith.constant 64 : index
      %parallel_loop3A_20 = tpu.vector_load %arg4[%parallel_loop3A_18, %parallel_loop3A_19] {strides = array<i32>} : memref<32x256xf32, #tpu.memory_space<vmem>>, vector<16xf32>,
      %parallel_loop3A_21 = arith.index_cast %parallel_loop3A_5 : i32 to index
      %parallel_loop3A_22 = arith.constant 80 : index
      %parallel_loop3A_23 = tpu.vector_load %arg4[%parallel_loop3A_21, %parallel_loop3A_22] {strides = array<i32>} : memref<32x256xf32, #tpu.memory_space<vmem>>, vector<16xf32>,
      %parallel_loop3A_24 = arith.index_cast %parallel_loop3A_5 : i32 to index
      %parallel_loop3A_25 = arith.constant 96 : index
      %parallel_loop3A_26 = tpu.vector_load %arg4[%parallel_loop3A_24, %parallel_loop3A_25] {strides = array<i32>} : memref<32x256xf32, #tpu.memory_space<vmem>>, vector<16xf32>,
      %parallel_loop3A_27 = arith.index_cast %parallel_loop3A_5 : i32 to index
      %parallel_loop3A_28 = arith.constant 112 : index
      %parallel_loop3A_29 = tpu.vector_load %arg4[%parallel_loop3A_27, %parallel_loop3A_28] {strides = array<i32>} : memref<32x256xf32, #tpu.memory_space<vmem>>, vector<16xf32>,
      %parallel_loop3A_30 = arith.index_cast %parallel_loop3A_5 : i32 to index
      %parallel_loop3A_31 = arith.constant 128 : index
      %parallel_loop3A_32 = tpu.vector_load %arg4[%parallel_loop3A_30, %parallel_loop3A_31] {strides = array<i32>} : memref<32x256xf32, #tpu.memory_space<vmem>>, vector<16xf32>,
      %parallel_loop3A_33 = arith.index_cast %parallel_loop3A_5 : i32 to index
      %parallel_loop3A_34 = arith.constant 144 : index
      %parallel_loop3A_35 = tpu.vector_load %arg4[%parallel_loop3A_33, %parallel_loop3A_34] {strides = array<i32>} : memref<32x256xf32, #tpu.memory_space<vmem>>, vector<16xf32>,
      %parallel_loop3A_36 = arith.index_cast %parallel_loop3A_5 : i32 to index
      %parallel_loop3A_37 = arith.constant 160 : index
      %parallel_loop3A_38 = tpu.vector_load %arg4[%parallel_loop3A_36, %parallel_loop3A_37] {strides = array<i32>} : memref<32x256xf32, #tpu.memory_space<vmem>>, vector<16xf32>,
      %parallel_loop3A_39 = arith.index_cast %parallel_loop3A_5 : i32 to index
      %parallel_loop3A_40 = arith.constant 176 : index
      %parallel_loop3A_41 = tpu.vector_load %arg4[%parallel_loop3A_39, %parallel_loop3A_40] {strides = array<i32>} : memref<32x256xf32, #tpu.memory_space<vmem>>, vector<16xf32>,
      %parallel_loop3A_42 = arith.index_cast %parallel_loop3A_5 : i32 to index
      %parallel_loop3A_43 = arith.constant 192 : index
      %parallel_loop3A_44 = tpu.vector_load %arg4[%parallel_loop3A_42, %parallel_loop3A_43] {strides = array<i32>} : memref<32x256xf32, #tpu.memory_space<vmem>>, vector<16xf32>,
      %parallel_loop3A_45 = arith.index_cast %parallel_loop3A_5 : i32 to index
      %parallel_loop3A_46 = arith.constant 208 : index
      %parallel_loop3A_47 = tpu.vector_load %arg4[%parallel_loop3A_45, %parallel_loop3A_46] {strides = array<i32>} : memref<32x256xf32, #tpu.memory_space<vmem>>, vector<16xf32>,
      %parallel_loop3A_48 = arith.index_cast %parallel_loop3A_5 : i32 to index
      %parallel_loop3A_49 = arith.constant 224 : index
      %parallel_loop3A_50 = tpu.vector_load %arg4[%parallel_loop3A_48, %parallel_loop3A_49] {strides = array<i32>} : memref<32x256xf32, #tpu.memory_space<vmem>>, vector<16xf32>,
      %parallel_loop3A_51 = arith.index_cast %parallel_loop3A_5 : i32 to index
      %parallel_loop3A_52 = arith.constant 240 : index
      %parallel_loop3A_53 = tpu.vector_load %arg4[%parallel_loop3A_51, %parallel_loop3A_52] {strides = array<i32>} : memref<32x256xf32, #tpu.memory_space<vmem>>, vector<16xf32>,
      %parallel_loop3A_54 = arith.mulf %parallel_loop3A_8, %parallel_loop3A_8 : vector<16xf32>
      %parallel_loop3A_55 = arith.mulf %parallel_loop3A_11, %parallel_loop3A_11 : vector<16xf32>
      %parallel_loop3A_56 = arith.addf %parallel_loop3A_54, %parallel_loop3A_55 : vector<16xf32>
      %parallel_loop3A_57 = arith.mulf %parallel_loop3A_14, %parallel_loop3A_14 : vector<16xf32>
      %parallel_loop3A_58 = arith.addf %parallel_loop3A_56, %parallel_loop3A_57 : vector<16xf32>
      %parallel_loop3A_59 = arith.mulf %parallel_loop3A_17, %parallel_loop3A_17 : vector<16xf32>
      %parallel_loop3A_60 = arith.addf %parallel_loop3A_58, %parallel_loop3A_59 : vector<16xf32>
      %parallel_loop3A_61 = arith.mulf %parallel_loop3A_20, %parallel_loop3A_20 : vector<16xf32>
      %parallel_loop3A_62 = arith.addf %parallel_loop3A_60, %parallel_loop3A_61 : vector<16xf32>
      %parallel_loop3A_63 = arith.mulf %parallel_loop3A_23, %parallel_loop3A_23 : vector<16xf32>
      %parallel_loop3A_64 = arith.addf %parallel_loop3A_62, %parallel_loop3A_63 : vector<16xf32>
      %parallel_loop3A_65 = arith.mulf %parallel_loop3A_26, %parallel_loop3A_26 : vector<16xf32>
      %parallel_loop3A_66 = arith.addf %parallel_loop3A_64, %parallel_loop3A_65 : vector<16xf32>
      %parallel_loop3A_67 = arith.mulf %parallel_loop3A_29, %parallel_loop3A_29 : vector<16xf32>
      %parallel_loop3A_68 = arith.addf %parallel_loop3A_66, %parallel_loop3A_67 : vector<16xf32>
      %parallel_loop3A_69 = arith.mulf %parallel_loop3A_32, %parallel_loop3A_32 : vector<16xf32>
      %parallel_loop3A_70 = arith.addf %parallel_loop3A_68, %parallel_loop3A_69 : vector<16xf32>
      %parallel_loop3A_71 = arith.mulf %parallel_loop3A_35, %parallel_loop3A_35 : vector<16xf32>
      %parallel_loop3A_72 = arith.addf %parallel_loop3A_70, %parallel_loop3A_71 : vector<16xf32>
      %parallel_loop3A_73 = arith.mulf %parallel_loop3A_38, %parallel_loop3A_38 : vector<16xf32>
      %parallel_loop3A_74 = arith.addf %parallel_loop3A_72, %parallel_loop3A_73 : vector<16xf32>
      %parallel_loop3A_75 = arith.mulf %parallel_loop3A_41, %parallel_loop3A_41 : vector<16xf32>
      %parallel_loop3A_76 = arith.addf %parallel_loop3A_74, %parallel_loop3A_75 : vector<16xf32>
      %parallel_loop3A_77 = arith.mulf %parallel_loop3A_44, %parallel_loop3A_44 : vector<16xf32>
      %parallel_loop3A_78 = arith.addf %parallel_loop3A_76, %parallel_loop3A_77 : vector<16xf32>
      %parallel_loop3A_79 = arith.mulf %parallel_loop3A_47, %parallel_loop3A_47 : vector<16xf32>
      %parallel_loop3A_80 = arith.addf %parallel_loop3A_78, %parallel_loop3A_79 : vector<16xf32>
      %parallel_loop3A_81 = arith.mulf %parallel_loop3A_50, %parallel_loop3A_50 : vector<16xf32>
      %parallel_loop3A_82 = arith.addf %parallel_loop3A_80, %parallel_loop3A_81 : vector<16xf32>
      %parallel_loop3A_83 = arith.mulf %parallel_loop3A_53, %parallel_loop3A_53 : vector<16xf32>
      %parallel_loop3A_84 = arith.addf %parallel_loop3A_82, %parallel_loop3A_83 : vector<16xf32>
      %parallel_loop3A_85 = arith.constant dense<true> : vector<16xi1>
      %parallel_loop3A_86, %parallel_loop3A_87, %parallel_loop3A_88 = tpu.sort %parallel_loop3A_8, %parallel_loop3A_8 masked %parallel_loop3A_85 : (vector<16xf32>, vector<16xf32>, vector<16xi1>) -> (vector<16xi1>, vector<16xf32>, vector<16xf32>)
      %parallel_loop3A_89 = arith.constant dense<true> : vector<16xi1>
      %parallel_loop3A_90, %parallel_loop3A_91, %parallel_loop3A_92 = tpu.sort %parallel_loop3A_11, %parallel_loop3A_11 masked %parallel_loop3A_89 {descending = true} : (vector<16xf32>, vector<16xf32>, vector<16xi1>) -> (vector<16xi1>, vector<16xf32>, vector<16xf32>)
      %parallel_loop3A_93 = arith.maximumf %parallel_loop3A_87, %parallel_loop3A_91 : vector<16xf32>
      %parallel_loop3A_94 = arith.minimumf %parallel_loop3A_87, %parallel_loop3A_91 : vector<16xf32>
      %parallel_loop3A_95 = arith.constant dense<true> : vector<16xi1>
      %parallel_loop3A_96, %parallel_loop3A_97, %parallel_loop3A_98 = tpu.sort %parallel_loop3A_14, %parallel_loop3A_14 masked %parallel_loop3A_95 : (vector<16xf32>, vector<16xf32>, vector<16xi1>) -> (vector<16xi1>, vector<16xf32>, vector<16xf32>)
      %parallel_loop3A_99 = arith.constant dense<true> : vector<16xi1>
      %parallel_loop3A_100, %parallel_loop3A_101, %parallel_loop3A_102 = tpu.sort %parallel_loop3A_17, %parallel_loop3A_17 masked %parallel_loop3A_99 {descending = true} : (vector<16xf32>, vector<16xf32>, vector<16xi1>) -> (vector<16xi1>, vector<16xf32>, vector<16xf32>)
      %parallel_loop3A_103 = arith.maximumf %parallel_loop3A_97, %parallel_loop3A_101 : vector<16xf32>
      %parallel_loop3A_104 = arith.minimumf %parallel_loop3A_97, %parallel_loop3A_101 : vector<16xf32>
      %parallel_loop3A_105 = arith.constant dense<true> : vector<16xi1>
      %parallel_loop3A_106, %parallel_loop3A_107, %parallel_loop3A_108 = tpu.sort %parallel_loop3A_20, %parallel_loop3A_20 masked %parallel_loop3A_105 : (vector<16xf32>, vector<16xf32>, vector<16xi1>) -> (vector<16xi1>, vector<16xf32>, vector<16xf32>)
      %parallel_loop3A_109 = arith.constant dense<true> : vector<16xi1>
      %parallel_loop3A_110, %parallel_loop3A_111, %parallel_loop3A_112 = tpu.sort %parallel_loop3A_23, %parallel_loop3A_23 masked %parallel_loop3A_109 {descending = true} : (vector<16xf32>, vector<16xf32>, vector<16xi1>) -> (vector<16xi1>, vector<16xf32>, vector<16xf32>)
      %parallel_loop3A_113 = arith.maximumf %parallel_loop3A_107, %parallel_loop3A_111 : vector<16xf32>
      %parallel_loop3A_114 = arith.minimumf %parallel_loop3A_107, %parallel_loop3A_111 : vector<16xf32>
      %parallel_loop3A_115 = arith.constant dense<true> : vector<16xi1>
      %parallel_loop3A_116, %parallel_loop3A_117, %parallel_loop3A_118 = tpu.sort %parallel_loop3A_26, %parallel_loop3A_26 masked %parallel_loop3A_115 : (vector<16xf32>, vector<16xf32>, vector<16xi1>) -> (vector<16xi1>, vector<16xf32>, vector<16xf32>)
      %parallel_loop3A_119 = arith.constant dense<true> : vector<16xi1>
      %parallel_loop3A_120, %parallel_loop3A_121, %parallel_loop3A_122 = tpu.sort %parallel_loop3A_29, %parallel_loop3A_29 masked %parallel_loop3A_119 {descending = true} : (vector<16xf32>, vector<16xf32>, vector<16xi1>) -> (vector<16xi1>, vector<16xf32>, vector<16xf32>)
      %parallel_loop3A_123 = arith.maximumf %parallel_loop3A_117, %parallel_loop3A_121 : vector<16xf32>
      %parallel_loop3A_124 = arith.minimumf %parallel_loop3A_117, %parallel_loop3A_121 : vector<16xf32>
      %parallel_loop3A_125 = arith.constant dense<true> : vector<16xi1>
      %parallel_loop3A_126, %parallel_loop3A_127, %parallel_loop3A_128 = tpu.sort %parallel_loop3A_32, %parallel_loop3A_32 masked %parallel_loop3A_125 : (vector<16xf32>, vector<16xf32>, vector<16xi1>) -> (vector<16xi1>, vector<16xf32>, vector<16xf32>)
      %parallel_loop3A_129 = arith.constant dense<true> : vector<16xi1>
      %parallel_loop3A_130, %parallel_loop3A_131, %parallel_loop3A_132 = tpu.sort %parallel_loop3A_35, %parallel_loop3A_35 masked %parallel_loop3A_129 {descending = true} : (vector<16xf32>, vector<16xf32>, vector<16xi1>) -> (vector<16xi1>, vector<16xf32>, vector<16xf32>)
      %parallel_loop3A_133 = arith.maximumf %parallel_loop3A_127, %parallel_loop3A_131 : vector<16xf32>
      %parallel_loop3A_134 = arith.minimumf %parallel_loop3A_127, %parallel_loop3A_131 : vector<16xf32>
      %parallel_loop3A_135 = arith.constant dense<true> : vector<16xi1>
      %parallel_loop3A_136, %parallel_loop3A_137, %parallel_loop3A_138 = tpu.sort %parallel_loop3A_38, %parallel_loop3A_38 masked %parallel_loop3A_135 : (vector<16xf32>, vector<16xf32>, vector<16xi1>) -> (vector<16xi1>, vector<16xf32>, vector<16xf32>)
      %parallel_loop3A_139 = arith.constant dense<true> : vector<16xi1>
      %parallel_loop3A_140, %parallel_loop3A_141, %parallel_loop3A_142 = tpu.sort %parallel_loop3A_41, %parallel_loop3A_41 masked %parallel_loop3A_139 {descending = true} : (vector<16xf32>, vector<16xf32>, vector<16xi1>) -> (vector<16xi1>, vector<16xf32>, vector<16xf32>)
      %parallel_loop3A_143 = arith.maximumf %parallel_loop3A_137, %parallel_loop3A_141 : vector<16xf32>
      %parallel_loop3A_144 = arith.minimumf %parallel_loop3A_137, %parallel_loop3A_141 : vector<16xf32>
      %parallel_loop3A_145 = arith.constant dense<true> : vector<16xi1>
      %parallel_loop3A_146, %parallel_loop3A_147, %parallel_loop3A_148 = tpu.sort %parallel_loop3A_44, %parallel_loop3A_44 masked %parallel_loop3A_145 : (vector<16xf32>, vector<16xf32>, vector<16xi1>) -> (vector<16xi1>, vector<16xf32>, vector<16xf32>)
      %parallel_loop3A_149 = arith.constant dense<true> : vector<16xi1>
      %parallel_loop3A_150, %parallel_loop3A_151, %parallel_loop3A_152 = tpu.sort %parallel_loop3A_47, %parallel_loop3A_47 masked %parallel_loop3A_149 {descending = true} : (vector<16xf32>, vector<16xf32>, vector<16xi1>) -> (vector<16xi1>, vector<16xf32>, vector<16xf32>)
      %parallel_loop3A_153 = arith.maximumf %parallel_loop3A_147, %parallel_loop3A_151 : vector<16xf32>
      %parallel_loop3A_154 = arith.minimumf %parallel_loop3A_147, %parallel_loop3A_151 : vector<16xf32>
      %parallel_loop3A_155 = arith.constant dense<true> : vector<16xi1>
      %parallel_loop3A_156, %parallel_loop3A_157, %parallel_loop3A_158 = tpu.sort %parallel_loop3A_50, %parallel_loop3A_50 masked %parallel_loop3A_155 : (vector<16xf32>, vector<16xf32>, vector<16xi1>) -> (vector<16xi1>, vector<16xf32>, vector<16xf32>)
      %parallel_loop3A_159 = arith.constant dense<true> : vector<16xi1>
      %parallel_loop3A_160, %parallel_loop3A_161, %parallel_loop3A_162 = tpu.sort %parallel_loop3A_53, %parallel_loop3A_53 masked %parallel_loop3A_159 {descending = true} : (vector<16xf32>, vector<16xf32>, vector<16xi1>) -> (vector<16xi1>, vector<16xf32>, vector<16xf32>)
      %parallel_loop3A_163 = arith.maximumf %parallel_loop3A_157, %parallel_loop3A_161 : vector<16xf32>
      %parallel_loop3A_164 = arith.minimumf %parallel_loop3A_157, %parallel_loop3A_161 : vector<16xf32>
      %parallel_loop3A_165 = arith.constant dense<true> : vector<16xi1>
      %parallel_loop3A_166, %parallel_loop3A_167, %parallel_loop3A_168 = tpu.sort %parallel_loop3A_93, %parallel_loop3A_93 masked %parallel_loop3A_165 : (vector<16xf32>, vector<16xf32>, vector<16xi1>) -> (vector<16xi1>, vector<16xf32>, vector<16xf32>)
      %parallel_loop3A_169 = arith.constant dense<true> : vector<16xi1>
      %parallel_loop3A_170, %parallel_loop3A_171, %parallel_loop3A_172 = tpu.sort %parallel_loop3A_103, %parallel_loop3A_103 masked %parallel_loop3A_169 {descending = true} : (vector<16xf32>, vector<16xf32>, vector<16xi1>) -> (vector<16xi1>, vector<16xf32>, vector<16xf32>)
      %parallel_loop3A_173 = arith.maximumf %parallel_loop3A_167, %parallel_loop3A_171 : vector<16xf32>
      %parallel_loop3A_174 = arith.constant dense<true> : vector<16xi1>
      %parallel_loop3A_175, %parallel_loop3A_176, %parallel_loop3A_177 = tpu.sort %parallel_loop3A_94, %parallel_loop3A_94 masked %parallel_loop3A_174 {descending = true} : (vector<16xf32>, vector<16xf32>, vector<16xi1>) -> (vector<16xi1>, vector<16xf32>, vector<16xf32>)
      %parallel_loop3A_178 = arith.constant dense<true> : vector<16xi1>
      %parallel_loop3A_179, %parallel_loop3A_180, %parallel_loop3A_181 = tpu.sort %parallel_loop3A_104, %parallel_loop3A_104 masked %parallel_loop3A_178 : (vector<16xf32>, vector<16xf32>, vector<16xi1>) -> (vector<16xi1>, vector<16xf32>, vector<16xf32>)
      %parallel_loop3A_182 = arith.minimumf %parallel_loop3A_176, %parallel_loop3A_180 : vector<16xf32>
      %parallel_loop3A_183 = arith.constant dense<true> : vector<16xi1>
      %parallel_loop3A_184, %parallel_loop3A_185, %parallel_loop3A_186 = tpu.sort %parallel_loop3A_113, %parallel_loop3A_113 masked %parallel_loop3A_183 : (vector<16xf32>, vector<16xf32>, vector<16xi1>) -> (vector<16xi1>, vector<16xf32>, vector<16xf32>)
      %parallel_loop3A_187 = arith.constant dense<true> : vector<16xi1>
      %parallel_loop3A_188, %parallel_loop3A_189, %parallel_loop3A_190 = tpu.sort %parallel_loop3A_123, %parallel_loop3A_123 masked %parallel_loop3A_187 {descending = true} : (vector<16xf32>, vector<16xf32>, vector<16xi1>) -> (vector<16xi1>, vector<16xf32>, vector<16xf32>)
      %parallel_loop3A_191 = arith.maximumf %parallel_loop3A_185, %parallel_loop3A_189 : vector<16xf32>
      %parallel_loop3A_192 = arith.constant dense<true> : vector<16xi1>
      %parallel_loop3A_193, %parallel_loop3A_194, %parallel_loop3A_195 = tpu.sort %parallel_loop3A_114, %parallel_loop3A_114 masked %parallel_loop3A_192 {descending = true} : (vector<16xf32>, vector<16xf32>, vector<16xi1>) -> (vector<16xi1>, vector<16xf32>, vector<16xf32>)
      %parallel_loop3A_196 = arith.constant dense<true> : vector<16xi1>
      %parallel_loop3A_197, %parallel_loop3A_198, %parallel_loop3A_199 = tpu.sort %parallel_loop3A_124, %parallel_loop3A_124 masked %parallel_loop3A_196 : (vector<16xf32>, vector<16xf32>, vector<16xi1>) -> (vector<16xi1>, vector<16xf32>, vector<16xf32>)
      %parallel_loop3A_200 = arith.minimumf %parallel_loop3A_194, %parallel_loop3A_198 : vector<16xf32>
      %parallel_loop3A_201 = arith.constant dense<true> : vector<16xi1>
      %parallel_loop3A_202, %parallel_loop3A_203, %parallel_loop3A_204 = tpu.sort %parallel_loop3A_133, %parallel_loop3A_133 masked %parallel_loop3A_201 : (vector<16xf32>, vector<16xf32>, vector<16xi1>) -> (vector<16xi1>, vector<16xf32>, vector<16xf32>)
      %parallel_loop3A_205 = arith.constant dense<true> : vector<16xi1>
      %parallel_loop3A_206, %parallel_loop3A_207, %parallel_loop3A_208 = tpu.sort %parallel_loop3A_143, %parallel_loop3A_143 masked %parallel_loop3A_205 {descending = true} : (vector<16xf32>, vector<16xf32>, vector<16xi1>) -> (vector<16xi1>, vector<16xf32>, vector<16xf32>)
      %parallel_loop3A_209 = arith.maximumf %parallel_loop3A_203, %parallel_loop3A_207 : vector<16xf32>
      %parallel_loop3A_210 = arith.constant dense<true> : vector<16xi1>
      %parallel_loop3A_211, %parallel_loop3A_212, %parallel_loop3A_213 = tpu.sort %parallel_loop3A_134, %parallel_loop3A_134 masked %parallel_loop3A_210 {descending = true} : (vector<16xf32>, vector<16xf32>, vector<16xi1>) -> (vector<16xi1>, vector<16xf32>, vector<16xf32>)
      %parallel_loop3A_214 = arith.constant dense<true> : vector<16xi1>
      %parallel_loop3A_215, %parallel_loop3A_216, %parallel_loop3A_217 = tpu.sort %parallel_loop3A_144, %parallel_loop3A_144 masked %parallel_loop3A_214 : (vector<16xf32>, vector<16xf32>, vector<16xi1>) -> (vector<16xi1>, vector<16xf32>, vector<16xf32>)
      %parallel_loop3A_218 = arith.minimumf %parallel_loop3A_212, %parallel_loop3A_216 : vector<16xf32>
      %parallel_loop3A_219 = arith.constant dense<true> : vector<16xi1>
      %parallel_loop3A_220, %parallel_loop3A_221, %parallel_loop3A_222 = tpu.sort %parallel_loop3A_153, %parallel_loop3A_153 masked %parallel_loop3A_219 : (vector<16xf32>, vector<16xf32>, vector<16xi1>) -> (vector<16xi1>, vector<16xf32>, vector<16xf32>)
      %parallel_loop3A_223 = arith.constant dense<true> : vector<16xi1>
      %parallel_loop3A_224, %parallel_loop3A_225, %parallel_loop3A_226 = tpu.sort %parallel_loop3A_163, %parallel_loop3A_163 masked %parallel_loop3A_223 {descending = true} : (vector<16xf32>, vector<16xf32>, vector<16xi1>) -> (vector<16xi1>, vector<16xf32>, vector<16xf32>)
      %parallel_loop3A_227 = arith.maximumf %parallel_loop3A_221, %parallel_loop3A_225 : vector<16xf32>
      %parallel_loop3A_228 = arith.constant dense<true> : vector<16xi1>
      %parallel_loop3A_229, %parallel_loop3A_230, %parallel_loop3A_231 = tpu.sort %parallel_loop3A_154, %parallel_loop3A_154 masked %parallel_loop3A_228 {descending = true} : (vector<16xf32>, vector<16xf32>, vector<16xi1>) -> (vector<16xi1>, vector<16xf32>, vector<16xf32>)
      %parallel_loop3A_232 = arith.constant dense<true> : vector<16xi1>
      %parallel_loop3A_233, %parallel_loop3A_234, %parallel_loop3A_235 = tpu.sort %parallel_loop3A_164, %parallel_loop3A_164 masked %parallel_loop3A_232 : (vector<16xf32>, vector<16xf32>, vector<16xi1>) -> (vector<16xi1>, vector<16xf32>, vector<16xf32>)
      %parallel_loop3A_236 = arith.minimumf %parallel_loop3A_230, %parallel_loop3A_234 : vector<16xf32>
      %parallel_loop3A_237 = arith.constant dense<true> : vector<16xi1>
      %parallel_loop3A_238, %parallel_loop3A_239, %parallel_loop3A_240 = tpu.sort %parallel_loop3A_173, %parallel_loop3A_173 masked %parallel_loop3A_237 : (vector<16xf32>, vector<16xf32>, vector<16xi1>) -> (vector<16xi1>, vector<16xf32>, vector<16xf32>)
      %parallel_loop3A_241 = arith.constant dense<true> : vector<16xi1>
      %parallel_loop3A_242, %parallel_loop3A_243, %parallel_loop3A_244 = tpu.sort %parallel_loop3A_191, %parallel_loop3A_191 masked %parallel_loop3A_241 {descending = true} : (vector<16xf32>, vector<16xf32>, vector<16xi1>) -> (vector<16xi1>, vector<16xf32>, vector<16xf32>)
      %parallel_loop3A_245 = arith.maximumf %parallel_loop3A_239, %parallel_loop3A_243 : vector<16xf32>
      %parallel_loop3A_246 = arith.constant dense<true> : vector<16xi1>
      %parallel_loop3A_247, %parallel_loop3A_248, %parallel_loop3A_249 = tpu.sort %parallel_loop3A_182, %parallel_loop3A_182 masked %parallel_loop3A_246 {descending = true} : (vector<16xf32>, vector<16xf32>, vector<16xi1>) -> (vector<16xi1>, vector<16xf32>, vector<16xf32>)
      %parallel_loop3A_250 = arith.constant dense<true> : vector<16xi1>
      %parallel_loop3A_251, %parallel_loop3A_252, %parallel_loop3A_253 = tpu.sort %parallel_loop3A_200, %parallel_loop3A_200 masked %parallel_loop3A_250 : (vector<16xf32>, vector<16xf32>, vector<16xi1>) -> (vector<16xi1>, vector<16xf32>, vector<16xf32>)
      %parallel_loop3A_254 = arith.minimumf %parallel_loop3A_248, %parallel_loop3A_252 : vector<16xf32>
      %parallel_loop3A_255 = arith.constant dense<true> : vector<16xi1>
      %parallel_loop3A_256, %parallel_loop3A_257, %parallel_loop3A_258 = tpu.sort %parallel_loop3A_209, %parallel_loop3A_209 masked %parallel_loop3A_255 : (vector<16xf32>, vector<16xf32>, vector<16xi1>) -> (vector<16xi1>, vector<16xf32>, vector<16xf32>)
      %parallel_loop3A_259 = arith.constant dense<true> : vector<16xi1>
      %parallel_loop3A_260, %parallel_loop3A_261, %parallel_loop3A_262 = tpu.sort %parallel_loop3A_227, %parallel_loop3A_227 masked %parallel_loop3A_259 {descending = true} : (vector<16xf32>, vector<16xf32>, vector<16xi1>) -> (vector<16xi1>, vector<16xf32>, vector<16xf32>)
      %parallel_loop3A_263 = arith.maximumf %parallel_loop3A_257, %parallel_loop3A_261 : vector<16xf32>
      %parallel_loop3A_264 = arith.constant dense<true> : vector<16xi1>
      %parallel_loop3A_265, %parallel_loop3A_266, %parallel_loop3A_267 = tpu.sort %parallel_loop3A_218, %parallel_loop3A_218 masked %parallel_loop3A_264 {descending = true} : (vector<16xf32>, vector<16xf32>, vector<16xi1>) -> (vector<16xi1>, vector<16xf32>, vector<16xf32>)
      %parallel_loop3A_268 = arith.constant dense<true> : vector<16xi1>
      %parallel_loop3A_269, %parallel_loop3A_270, %parallel_loop3A_271 = tpu.sort %parallel_loop3A_236, %parallel_loop3A_236 masked %parallel_loop3A_268 : (vector<16xf32>, vector<16xf32>, vector<16xi1>) -> (vector<16xi1>, vector<16xf32>, vector<16xf32>)
      %parallel_loop3A_272 = arith.minimumf %parallel_loop3A_266, %parallel_loop3A_270 : vector<16xf32>
      %parallel_loop3A_273 = arith.constant dense<true> : vector<16xi1>
      %parallel_loop3A_274, %parallel_loop3A_275, %parallel_loop3A_276 = tpu.sort %parallel_loop3A_245, %parallel_loop3A_245 masked %parallel_loop3A_273 : (vector<16xf32>, vector<16xf32>, vector<16xi1>) -> (vector<16xi1>, vector<16xf32>, vector<16xf32>)
      %parallel_loop3A_277 = arith.constant dense<true> : vector<16xi1>
      %parallel_loop3A_278, %parallel_loop3A_279, %parallel_loop3A_280 = tpu.sort %parallel_loop3A_263, %parallel_loop3A_263 masked %parallel_loop3A_277 {descending = true} : (vector<16xf32>, vector<16xf32>, vector<16xi1>) -> (vector<16xi1>, vector<16xf32>, vector<16xf32>)
      %parallel_loop3A_281 = arith.maximumf %parallel_loop3A_275, %parallel_loop3A_279 : vector<16xf32>
      %parallel_loop3A_282 = arith.constant dense<true> : vector<16xi1>
      %parallel_loop3A_283, %parallel_loop3A_284, %parallel_loop3A_285 = tpu.sort %parallel_loop3A_254, %parallel_loop3A_254 masked %parallel_loop3A_282 {descending = true} : (vector<16xf32>, vector<16xf32>, vector<16xi1>) -> (vector<16xi1>, vector<16xf32>, vector<16xf32>)
      %parallel_loop3A_286 = arith.constant dense<true> : vector<16xi1>
      %parallel_loop3A_287, %parallel_loop3A_288, %parallel_loop3A_289 = tpu.sort %parallel_loop3A_272, %parallel_loop3A_272 masked %parallel_loop3A_286 : (vector<16xf32>, vector<16xf32>, vector<16xi1>) -> (vector<16xi1>, vector<16xf32>, vector<16xf32>)
      %parallel_loop3A_290 = arith.minimumf %parallel_loop3A_284, %parallel_loop3A_288 : vector<16xf32>
      %parallel_loop3A_291 = arith.constant true
      %parallel_loop3A_292 = vector.broadcast %parallel_loop3A_291 : i1 to vector<16xi1>
      %parallel_loop3A_293 = tpu.scan <sum>, %parallel_loop3A_281 masked %parallel_loop3A_292 : vector<16xf32>, vector<16xi1> -> vector<16xf32>
      %parallel_loop3A_294 = vector.extract %parallel_loop3A_293[15] : f32 from vector<16xf32>
      %parallel_loop3A_295 = arith.constant true
      %parallel_loop3A_296 = vector.broadcast %parallel_loop3A_295 : i1 to vector<16xi1>
      %parallel_loop3A_297 = tpu.scan <sum>, %parallel_loop3A_290 masked %parallel_loop3A_296 : vector<16xf32>, vector<16xi1> -> vector<16xf32>
      %parallel_loop3A_298 = vector.extract %parallel_loop3A_297[15] : f32 from vector<16xf32>
      %parallel_loop3A_299 = arith.constant true
      %parallel_loop3A_300 = vector.broadcast %parallel_loop3A_299 : i1 to vector<16xi1>
      %parallel_loop3A_301 = tpu.scan <sum>, %parallel_loop3A_84 masked %parallel_loop3A_300 : vector<16xf32>, vector<16xi1> -> vector<16xf32>
      %parallel_loop3A_302 = vector.extract %parallel_loop3A_301[15] : f32 from vector<16xf32>
      %parallel_loop3A_303 = arith.constant 0 : i32
      %parallel_loop3A_304 = vector.broadcast %parallel_loop3A_303 : i32 to vector<16xi32>
      %parallel_loop3A_305 = arith.cmpi eq, %iota3A, %parallel_loop3A_304 : vector<16xi32>
      %parallel_loop3A_306 = arith.constant 1 : i32
      %parallel_loop3A_307 = vector.broadcast %parallel_loop3A_306 : i32 to vector<16xi32>
      %parallel_loop3A_308 = arith.cmpi eq, %iota3A, %parallel_loop3A_307 : vector<16xi32>
      %parallel_loop3A_309 = arith.constant 2 : i32
      %parallel_loop3A_310 = vector.broadcast %parallel_loop3A_309 : i32 to vector<16xi32>
      %parallel_loop3A_311 = arith.cmpi eq, %iota3A, %parallel_loop3A_310 : vector<16xi32>
      %parallel_loop3A_312 = arith.constant 0.000000e+00 : f32
      %parallel_loop3A_313 = vector.broadcast %parallel_loop3A_302 : f32 to vector<16xf32>
      %parallel_loop3A_314 = vector.broadcast %parallel_loop3A_312 : f32 to vector<16xf32>
      %parallel_loop3A_315 = arith.select %parallel_loop3A_311, %parallel_loop3A_313, %parallel_loop3A_314 : vector<16xi1>, vector<16xf32>
      %parallel_loop3A_316 = vector.broadcast %parallel_loop3A_298 : f32 to vector<16xf32>
      %parallel_loop3A_317 = arith.select %parallel_loop3A_308, %parallel_loop3A_316, %parallel_loop3A_315 : vector<16xi1>, vector<16xf32>
      %parallel_loop3A_318 = vector.broadcast %parallel_loop3A_294 : f32 to vector<16xf32>
      %parallel_loop3A_319 = arith.select %parallel_loop3A_305, %parallel_loop3A_318, %parallel_loop3A_317 : vector<16xi1>, vector<16xf32>
      %parallel_loop3A_320 = arith.index_cast %parallel_loop3A_5 : i32 to index
      %parallel_loop3A_321 = arith.constant 0 : index
      %parallel_loop3A_322 = tpu.vector_load %arg5[%parallel_loop3A_320, %parallel_loop3A_321] {strides = array<i32>} : memref<32x16xf32, #tpu.memory_space<vmem>>, vector<16xf32>,
      tpu.vector_store %arg5[%parallel_loop3A_320, %parallel_loop3A_321], %parallel_loop3A_319 {strides = array<i32>} : memref<32x16xf32, #tpu.memory_space<vmem>>, vector<16xf32>,
    } {sc.loop_unroll_factor = 2 : i64, sc.parallel_access}
    "tpu.region"() ({
      %run_scoped3A = tpu.sem_alloc : memref<!tpu.dma_semaphore, #tpu.memory_space<semaphore_mem>>
      %dma_start3A = arith.constant 0 : i32
      %dma_start3A_5 = tpu.memref_slice %arg3[%mul3A_2, %dma_start3A] : memref<1024x16xf32, #tpu.memory_space<hbm>> -> memref<32x16xf32, #tpu.memory_space<hbm>>
      %dma_start3A_6 = arith.constant 0 : i32
      %dma_start3A_7 = tpu.memref_slice %arg3[%mul3A_2, %dma_start3A_6] : memref<1024x16xf32, #tpu.memory_space<hbm>> -> memref<32x16xf32, #tpu.memory_space<hbm>>
      tpu.enqueue_dma source(%arg5 : memref<32x16xf32, #tpu.memory_space<vmem>>) target(%dma_start3A_7 : memref<32x16xf32, #tpu.memory_space<hbm>>) target_semaphore(%run_scoped3A : memref<!tpu.dma_semaphore, #tpu.memory_space<semaphore_mem>>)
      %dma_wait3A = arith.constant 0 : i32
      %dma_wait3A_8 = tpu.memref_slice %arg3[%mul3A_2, %dma_wait3A] : memref<1024x16xf32, #tpu.memory_space<hbm>> -> memref<32x16xf32, #tpu.memory_space<hbm>>
      %dma_wait3A_9 = arith.constant 0 : i32
      %dma_wait3A_10 = tpu.memref_slice %arg3[%mul3A_2, %dma_wait3A_9] : memref<1024x16xf32, #tpu.memory_space<hbm>> -> memref<32x16xf32, #tpu.memory_space<hbm>>
      tpu.wait_dma2 semaphore(%run_scoped3A : memref<!tpu.dma_semaphore, #tpu.memory_space<semaphore_mem>>) src(%arg5 : memref<32x16xf32, #tpu.memory_space<vmem>>) dst(%dma_wait3A_10 : memref<32x16xf32, #tpu.memory_space<hbm>>)
      tpu.yield
    }) : () -> ()
    return
  }
}

module attributes {stable_mosaic.version = 14 : i64} {
  func.func @_tc_mm_body(%arg0: i32, %arg1: memref<512x256xf32, #tpu.memory_space<vmem>>, %arg2: memref<256x512xf32, #tpu.memory_space<vmem>>, %arg3: memref<512x256xbf16, #tpu.memory_space<vmem>>, %arg4: memref<512x256xbf16, #tpu.memory_space<vmem>>) attributes {dimension_semantics = [#tpu.dimension_semantics<arbitrary>], iteration_bounds = array<i64: 2>, scalar_prefetch = 0 : i64, scratch_operands = 0 : i64, tpu.core_type = #tpu.core_type<tc>, window_params = [{transform_indices = @transform_0, window_bounds = array<i64: 512, 256>}, {pipeline_mode = #tpu.pipeline_mode<synchronous>, transform_indices = @transform_1, window_bounds = array<i64: 256, 512>}, {transform_indices = @transform_2, window_bounds = array<i64: 512, 256>}, {transform_indices = @transform_3, window_bounds = array<i64: 512, 256>}]} {
    %get3A = arith.constant 0 : index
    %get3A_0 = arith.constant 0 : index
    %get3A_1 = vector.load %arg1[%get3A, %get3A_0] : memref<512x256xf32, #tpu.memory_space<vmem>>, vector<512x256xf32>
    %mul3A = arith.mulf %get3A_1, %get3A_1 : vector<512x256xf32>
    %reduce_sum3A = arith.constant dense<0.000000e+00> : vector<512xf32>
    %reduce_sum3A_2 = vector.multi_reduction <add>, %mul3A, %reduce_sum3A [1] : vector<512x256xf32> to vector<512xf32>
    %broadcast_in_dim3A = vector.shape_cast %reduce_sum3A_2 : vector<512xf32> to vector<512x1xf32>
    %sqrt3A = math.sqrt %broadcast_in_dim3A : vector<512x1xf32>
    %max3A = arith.constant 9.99999996E-13 : f32
    %max3A_3 = vector.broadcast %max3A : f32 to vector<512x1xf32>
    %max3A_4 = arith.maximumf %sqrt3A, %max3A_3 : vector<512x1xf32>
    %div3A = vector.broadcast %max3A_4 : vector<512x1xf32> to vector<512x256xf32>
    %div3A_5 = arith.divf %get3A_1, %div3A : vector<512x256xf32>
    %max3A_6 = arith.constant 0.000000e+00 : f32
    %max3A_7 = vector.broadcast %max3A_6 : f32 to vector<512x256xf32>
    %max3A_8 = arith.maximumf %div3A_5, %max3A_7 : vector<512x256xf32>
    %min3A = arith.constant 0.000000e+00 : f32
    %min3A_9 = vector.broadcast %min3A : f32 to vector<512x256xf32>
    %min3A_10 = arith.minimumf %div3A_5, %min3A_9 : vector<512x256xf32>
    %neg3A = arith.constant 0.000000e+00 : f32
    %neg3A_11 = vector.broadcast %neg3A : f32 to vector<512x256xf32>
    %neg3A_12 = arith.subf %neg3A_11, %min3A_10 : vector<512x256xf32>
    %concatenate3A = tpu.concatenate %max3A_8, %neg3A_12 in 1 : vector<512x256xf32>, vector<512x256xf32> -> vector<512x512xf32>
    %neg3A_13 = arith.constant 0.000000e+00 : f32
    %neg3A_14 = vector.broadcast %neg3A_13 : f32 to vector<512x256xf32>
    %neg3A_15 = arith.subf %neg3A_14, %max3A_8 : vector<512x256xf32>
    %concatenate3A_16 = tpu.concatenate %min3A_10, %neg3A_15 in 1 : vector<512x256xf32>, vector<512x256xf32> -> vector<512x512xf32>
    %get3A_17 = arith.constant 0 : index
    %get3A_18 = arith.constant 0 : index
    %get3A_19 = vector.load %arg2[%get3A_17, %get3A_18] : memref<256x512xf32, #tpu.memory_space<vmem>>, vector<256x512xf32>
    %dot_general3A = arith.constant dense<0.000000e+00> : vector<512x256xf32>
    %dot_general3A_20 = tpu.matmul %concatenate3A, %get3A_19, %dot_general3A {dimension_numbers = #tpu.dot_dimension_numbers<[1], [1], [0], [0], [0, 0, 1, 0], [], []>, transpose_lhs_hint = false} : vector<512x512xf32>, vector<256x512xf32>, vector<512x256xf32> -> vector<512x256xf32>
    %convert_element_type3A = arith.truncf %dot_general3A_20 : vector<512x256xf32> to vector<512x256xbf16>
    %swap3A = arith.constant 0 : index
    %swap3A_21 = arith.constant 0 : index
    %swap3A_22 = vector.load %arg3[%swap3A, %swap3A_21] : memref<512x256xbf16, #tpu.memory_space<vmem>>, vector<512x256xbf16>
    tpu.vector_store %arg3[%swap3A, %swap3A_21], %convert_element_type3A {strides = array<i32>} : memref<512x256xbf16, #tpu.memory_space<vmem>>, vector<512x256xbf16>,
    %dot_general3A_23 = arith.constant dense<0.000000e+00> : vector<512x256xf32>
    %dot_general3A_24 = tpu.matmul %concatenate3A_16, %get3A_19, %dot_general3A_23 {dimension_numbers = #tpu.dot_dimension_numbers<[1], [1], [0], [0], [0, 0, 1, 0], [], []>, transpose_lhs_hint = false} : vector<512x512xf32>, vector<256x512xf32>, vector<512x256xf32> -> vector<512x256xf32>
    %convert_element_type3A_25 = arith.truncf %dot_general3A_24 : vector<512x256xf32> to vector<512x256xbf16>
    %swap3A_26 = arith.constant 0 : index
    %swap3A_27 = arith.constant 0 : index
    %swap3A_28 = vector.load %arg4[%swap3A_26, %swap3A_27] : memref<512x256xbf16, #tpu.memory_space<vmem>>, vector<512x256xbf16>
    tpu.vector_store %arg4[%swap3A_26, %swap3A_27], %convert_element_type3A_25 {strides = array<i32>} : memref<512x256xbf16, #tpu.memory_space<vmem>>, vector<512x256xbf16>,
    return
  }
  func.func @transform_0(%arg0: i32) -> (i32, i32) {
    %c0_i32 = arith.constant 0 : i32
    %c0_i32_0 = arith.constant 0 : i32
    return %arg0, %c0_i32 : i32, i32
  }
  func.func @transform_1(%arg0: i32) -> (i32, i32) {
    %c0_i32 = arith.constant 0 : i32
    %c0_i32_0 = arith.constant 0 : i32
    %c0_i32_1 = arith.constant 0 : i32
    return %c0_i32, %c0_i32_0 : i32, i32
  }
  func.func @transform_2(%arg0: i32) -> (i32, i32) {
    %c0_i32 = arith.constant 0 : i32
    %c0_i32_0 = arith.constant 0 : i32
    return %arg0, %c0_i32 : i32, i32
  }
  func.func @transform_3(%arg0: i32) -> (i32, i32) {
    %c0_i32 = arith.constant 0 : i32
    %c0_i32_0 = arith.constant 0 : i32
    return %arg0, %c0_i32 : i32, i32
  }
}

module attributes {stable_mosaic.version = 14 : i64} {
  func.func @_tc_fin_body(%arg0: i32, %arg1: memref<512x256xbf16, #tpu.memory_space<vmem>>, %arg2: memref<512x256xbf16, #tpu.memory_space<vmem>>, %arg3: memref<512x16xf32, #tpu.memory_space<vmem>>, %arg4: memref<512xf32, #tpu.memory_space<vmem>>, %arg5: memref<512xf32, #tpu.memory_space<vmem>>, %arg6: memref<256xf32, #tpu.memory_space<vmem>>, %arg7: memref<1x256xf32, #tpu.memory_space<vmem>>, %arg8: memref<512x256xf32, #tpu.memory_space<vmem>>) attributes {dimension_semantics = [#tpu.dimension_semantics<arbitrary>], iteration_bounds = array<i64: 2>, scalar_prefetch = 0 : i64, scratch_operands = 0 : i64, tpu.core_type = #tpu.core_type<tc>, window_params = [{transform_indices = @transform_0, window_bounds = array<i64: 512, 256>}, {transform_indices = @transform_1, window_bounds = array<i64: 512, 256>}, {transform_indices = @transform_2, window_bounds = array<i64: 512, 16>}, {transform_indices = @transform_3, window_bounds = array<i64: 512>}, {transform_indices = @transform_4, window_bounds = array<i64: 512>}, {pipeline_mode = #tpu.pipeline_mode<synchronous>, transform_indices = @transform_5, window_bounds = array<i64: 256>}, {pipeline_mode = #tpu.pipeline_mode<synchronous>, transform_indices = @transform_6, window_bounds = array<i64: 1, 256>}, {transform_indices = @transform_7, window_bounds = array<i64: 512, 256>}]} {
    %get3A = arith.constant 0 : index
    %get3A_0 = arith.constant 0 : index
    %get3A_1 = vector.load %arg3[%get3A, %get3A_0] : memref<512x16xf32, #tpu.memory_space<vmem>>, vector<512x16xf32>
    %slice3A = vector.extract_strided_slice %get3A_1 {offsets = [0, 2], sizes = [512, 1], strides = [1, 1]} : vector<512x16xf32> to vector<512x1xf32>
    %sqrt3A = math.sqrt %slice3A : vector<512x1xf32>
    %max3A = arith.constant 9.99999996E-13 : f32
    %max3A_2 = vector.broadcast %max3A : f32 to vector<512x1xf32>
    %max3A_3 = arith.maximumf %sqrt3A, %max3A_2 : vector<512x1xf32>
    %mul3A = arith.constant 1.600000e+01 : f32
    %mul3A_4 = vector.broadcast %mul3A : f32 to vector<512x1xf32>
    %mul3A_5 = arith.mulf %mul3A_4, %max3A_3 : vector<512x1xf32>
    %slice3A_6 = vector.extract_strided_slice %get3A_1 {offsets = [0, 0], sizes = [512, 1], strides = [1, 1]} : vector<512x16xf32> to vector<512x1xf32>
    %div3A = arith.divf %slice3A_6, %mul3A_5 : vector<512x1xf32>
    %slice3A_7 = vector.extract_strided_slice %get3A_1 {offsets = [0, 1], sizes = [512, 1], strides = [1, 1]} : vector<512x16xf32> to vector<512x1xf32>
    %div3A_8 = arith.divf %slice3A_7, %mul3A_5 : vector<512x1xf32>
    %get3A_9 = arith.constant 0 : index
    %get3A_10 = vector.load %arg4[%get3A_9] : memref<512xf32, #tpu.memory_space<vmem>>, vector<512xf32>
    %get3A_11 = arith.constant 0 : index
    %get3A_12 = vector.load %arg5[%get3A_11] : memref<512xf32, #tpu.memory_space<vmem>>, vector<512xf32>
    %mul3A_13 = arith.mulf %get3A_10, %get3A_12 : vector<512xf32>
    %reshape3A = vector.shape_cast %mul3A_13 : vector<512xf32> to vector<512x1xf32>
    %sub3A = arith.constant 1.000000e+00 : f32
    %sub3A_14 = vector.broadcast %sub3A : f32 to vector<512x1xf32>
    %sub3A_15 = arith.subf %sub3A_14, %reshape3A : vector<512x1xf32>
    %get3A_16 = arith.constant 0 : index
    %get3A_17 = arith.constant 0 : index
    %get3A_18 = vector.load %arg1[%get3A_16, %get3A_17] : memref<512x256xbf16, #tpu.memory_space<vmem>>, vector<512x256xbf16>
    %convert_element_type3A = arith.extf %get3A_18 : vector<512x256xbf16> to vector<512x256xf32>
    %mul3A_19 = vector.broadcast %div3A : vector<512x1xf32> to vector<512x256xf32>
    %mul3A_20 = arith.mulf %mul3A_19, %convert_element_type3A : vector<512x256xf32>
    %get3A_21 = arith.constant 0 : index
    %get3A_22 = arith.constant 0 : index
    %get3A_23 = vector.load %arg2[%get3A_21, %get3A_22] : memref<512x256xbf16, #tpu.memory_space<vmem>>, vector<512x256xbf16>
    %convert_element_type3A_24 = arith.extf %get3A_23 : vector<512x256xbf16> to vector<512x256xf32>
    %mul3A_25 = vector.broadcast %div3A_8 : vector<512x1xf32> to vector<512x256xf32>
    %mul3A_26 = arith.mulf %mul3A_25, %convert_element_type3A_24 : vector<512x256xf32>
    %add3A = arith.addf %mul3A_20, %mul3A_26 : vector<512x256xf32>
    %get3A_27 = arith.constant 0 : index
    %get3A_28 = vector.load %arg6[%get3A_27] : memref<256xf32, #tpu.memory_space<vmem>>, vector<256xf32>
    %reshape3A_29 = vector.shape_cast %get3A_28 : vector<256xf32> to vector<1x256xf32>
    %add3A_30 = vector.broadcast %reshape3A_29 : vector<1x256xf32> to vector<512x256xf32>
    %add3A_31 = arith.addf %add3A, %add3A_30 : vector<512x256xf32>
    %get3A_32 = arith.constant 0 : index
    %get3A_33 = arith.constant 0 : index
    %get3A_34 = vector.load %arg7[%get3A_32, %get3A_33] : memref<1x256xf32, #tpu.memory_space<vmem>>, vector<1x256xf32>
    %mul3A_35 = vector.broadcast %get3A_34 : vector<1x256xf32> to vector<512x256xf32>
    %mul3A_36 = vector.broadcast %sub3A_15 : vector<512x1xf32> to vector<512x256xf32>
    %mul3A_37 = arith.mulf %mul3A_35, %mul3A_36 : vector<512x256xf32>
    %add3A_38 = arith.addf %add3A_31, %mul3A_37 : vector<512x256xf32>
    %swap3A = arith.constant 0 : index
    %swap3A_39 = arith.constant 0 : index
    %swap3A_40 = vector.load %arg8[%swap3A, %swap3A_39] : memref<512x256xf32, #tpu.memory_space<vmem>>, vector<512x256xf32>
    tpu.vector_store %arg8[%swap3A, %swap3A_39], %add3A_38 {strides = array<i32>} : memref<512x256xf32, #tpu.memory_space<vmem>>, vector<512x256xf32>,
    return
  }
  func.func @transform_0(%arg0: i32) -> (i32, i32) {
    %c0_i32 = arith.constant 0 : i32
    %c0_i32_0 = arith.constant 0 : i32
    return %arg0, %c0_i32 : i32, i32
  }
  func.func @transform_1(%arg0: i32) -> (i32, i32) {
    %c0_i32 = arith.constant 0 : i32
    %c0_i32_0 = arith.constant 0 : i32
    return %arg0, %c0_i32 : i32, i32
  }
  func.func @transform_2(%arg0: i32) -> (i32, i32) {
    %c0_i32 = arith.constant 0 : i32
    %c0_i32_0 = arith.constant 0 : i32
    return %arg0, %c0_i32 : i32, i32
  }
  func.func @transform_3(%arg0: i32) -> i32 {
    %c0_i32 = arith.constant 0 : i32
    return %arg0 : i32
  }
  func.func @transform_4(%arg0: i32) -> i32 {
    %c0_i32 = arith.constant 0 : i32
    return %arg0 : i32
  }
  func.func @transform_5(%arg0: i32) -> i32 {
    %c0_i32 = arith.constant 0 : i32
    %c0_i32_0 = arith.constant 0 : i32
    return %c0_i32 : i32
  }
  func.func @transform_6(%arg0: i32) -> (i32, i32) {
    %c0_i32 = arith.constant 0 : i32
    %c0_i32_0 = arith.constant 0 : i32
    %c0_i32_1 = arith.constant 0 : i32
    return %c0_i32, %c0_i32_0 : i32, i32
  }
  func.func @transform_7(%arg0: i32) -> (i32, i32) {
    %c0_i32 = arith.constant 0 : i32
    %c0_i32_0 = arith.constant 0 : i32
    return %arg0, %c0_i32 : i32, i32
  }
}

</mosaic_0001>

<sc_bundles>
// kernel: kernel.5.cloned.1.call-start
scs
__scs_entry_jumppad:
0x0: {  	(pc) =	sbr.rel $0x88, $3  }
0x1: {  	(tag) =	ssettag $0x0;
	lr =	simm.s32 $0x1  }
0x2: {  	[smem:$0x3F9A] =	sst lr;
	_ =	strace $0xD0000000  }
0x3: {  	_ = 	snop  }
0x4: {  	_ = 	snop  }
0x5: {  	_ = 	snop  }
0x6: {  	_ = 	snop  }
0x7: {  	_ = 	snop  }
__scs_overlays_trampoline_lowered:
0x8: {  	[smem:$0x3FA9] =	sst s0  }
0x9: {  	[smem:$0x3FAA] =	sst s1  }
0xa: {  	[smem:$0x3FAB] =	sst s2  }
0xb: {  	[smem:$0x3FAC] =	sst s3  }
0xc: {  	[smem:$0x3FAD] =	sst s4  }
0xd: {  	[smem:$0x3FAE] =	sst s5  }
0xe: {  	[smem:$0x3FAF] =	sst s6  }
0xf: {  	[smem:$0x3FB0] =	sst s7  }
0x10: {  	[smem:$0x3FB1] =	sst s8  }
0x11: {  	[smem:$0x3FB2] =	sst s9;
	s0 =	simm.s32 @!p0 $0x0  }
0x12: {  	s1 =	sld [smem:$0x3F98];
	s0 =	simm.s32 @p0 $0x1  }
0x13: {  	[smem:$0x3FB3] =	sst s0;
	s0 =	simm.s32 @!p1 $0x0  }
0x14: {  	s2 =	sld [smem:$0x3F97];
	s0 =	simm.s32 @p1 $0x1  }
0x15: {  	[smem:$0x3FB4] =	sst s0;
	s0 =	simm.s32 @!p2 $0x0  }
0x16: {  	s3 =	sld [smem:$0x3FDB];
	s0 =	simm.s32 @p2 $0x1  }
0x17: {  	s4 =	simm.s32 $0x1BF5;
	[smem:$0x3FB6] =	sst s0  }
0x18: {  	s0 =	sld [smem:$0x3F99];
	_ =	swait.ge [sflag:s4], $0x0  }
0x19: {  	s7 =	sld [smem:$0x3F9A]  }
0x1a: {  	s8 =	sadd.s32 $0xFFFFE003, lr  }
0x1b: {  	s9 =	sadd.s32 $0xFFFFFEF7, lr;
	s5 =	simm.s32 $0xFFFFFFFF;
	p2 =	slt.u32 s8, $0xFFFFF086  }
0x1c: {  	p1 =	slt.u32 s9, $0xF7A;
	s5 =	simm.s32 @!p2 $0x0  }
0x1d: {  	s5 =	simm.s32 @p1 $0x1;
	p0 =	seq.s32 s7, s2  }
0x1e: {  	s7 =	smul.u32 @!p0 $0xF7A, s2;
	p2 =	seq.s32 @!p0 s5, $0x0  }
0x1f: {  	s9 =	smul.u32 $0xF7A, s1;
	s8 =	simm.s32 @!p0 $0x1BF5;
	p2 =	por !p2, p0  }
0x20: {  	[sflag:s8] =	ssyncset.s32 @!p0 $0xFFFFF086;
	s6 =	sadd.s32 @!p0 s3, s7;
	s7 =	simm.s32 @!p0 $0x108  }
0x21: {  	s3 =	sadd.s32 s3, s9;
	s6 =	sadd.s32 @!p0 $0x88, s6;
	s7 =	simm.s32 @p2 $0x1082  }
0x22: {  	[simem:s7], [sflag:s8] =	dma.local @!p0 [hbm:s6], $0xF7A  }
0x23: {  	s9 =	sor.u32 $0xD0000000, s2;
	s6 =	simm.s32 $0x108;
	_ =	swait.ge @!p0 [sflag:s8], $0x0  }
0x24: {  	s3 =	sadd.s32 $0x88, s3;
	s6 =	simm.s32 @!p1 $0x1082;
	[sflag:s4] =	ssyncset.s32 $0xFFFFF086  }
0x25: {  	[simem:s6], [sflag:s4] =	dma.local [hbm:s3], $0xF7A  }
0x26: {  	[smem:$0x3F9A] =	sst s1;
	(tag) =	ssettag s2;
	_ =	strace s9  }
0x27: {  	s1 =	sld [smem:$0x3FAA]  }
0x28: {  	s2 =	sld [smem:$0x3FAB]  }
0x29: {  	s4 =	sld [smem:$0x3FAD]  }
0x2a: {  	p0 =	seq.s32 s5, $0x0;
	s5 =	sld [smem:$0x3FAE]  }
0x2b: {  	s6 =	sld [smem:$0x3FAF]  }
0x2c: {  	s7 =	sld [smem:$0x3FB0]  }
0x2d: {  	s3 =	simm.s32 $0x108;
	s8 =	sld [smem:$0x3FB1]  }
0x2e: {  	s3 =	simm.s32 @!p0 $0x1082;
	s9 =	sld [smem:$0x3FB2]  }
0x2f: {  	lr =	sadd.s32 s0, s3;
	s0 =	sld [smem:$0x3FA9]  }
0x30: {  	s3 =	sld [smem:$0x3FAC]  }
0x31: {  	[smem:$0x3FB5] =	sst s10  }
0x32: {  	s10 =	sld [smem:$0x3FB3];
	_ =	sdelay $0x3  }
0x33: {  	p0 =	seq.s32 s10, $0x1;
	s10 =	sld [smem:$0x3FB5];
	_ =	sdelay $0x3  }
0x34: {  	[smem:$0x3FB5] =	sst s10  }
0x35: {  	s10 =	sld [smem:$0x3FB4];
	_ =	sdelay $0x3  }
0x36: {  	p1 =	seq.s32 s10, $0x1;
	s10 =	sld [smem:$0x3FB5];
	_ =	sdelay $0x3  }
0x37: {  	[smem:$0x3FB5] =	sst s10  }
0x38: {  	s10 =	sld [smem:$0x3FB6]  }
0x39: {  	_ = 	snop;
	(pc) =	sbr.ind lr, $3  }
0x3a: {  	_ = 	snop  }
0x3b: {  	_ = 	snop  }
0x3c: {  	p2 =	seq.s32 s10, $0x1;
	s10 =	sld [smem:$0x3FB5]  }
0x3d: {  	_ =	shalt  }
0x3e: {  	_ =	shalt  }
0x3f: {  	_ =	shalt  }
0x40: {  	_ =	shalt  }
0x41: {  	_ =	shalt  }
0x42: {  	_ =	shalt  }
0x43: {  	_ =	shalt  }
0x44: {  	_ =	shalt  }
0x45: {  	_ =	shalt  }
0x46: {  	_ =	shalt  }
0x47: {  	_ =	shalt  }
0x48: {  	_ =	shalt  }
0x49: {  	_ =	shalt  }
0x4a: {  	_ =	shalt  }
0x4b: {  	_ =	shalt  }
0x4c: {  	_ =	shalt  }
0x4d: {  	_ =	shalt  }
0x4e: {  	_ =	shalt  }
0x4f: {  	_ =	shalt  }
0x50: {  	_ =	shalt  }
0x51: {  	_ =	shalt  }
0x52: {  	_ =	shalt  }
0x53: {  	_ =	shalt  }
0x54: {  	_ =	shalt  }
0x55: {  	_ =	shalt  }
0x56: {  	_ =	shalt  }
0x57: {  	_ =	shalt  }
0x58: {  	_ =	shalt  }
0x59: {  	_ =	shalt  }
0x5a: {  	_ =	shalt  }
0x5b: {  	_ =	shalt  }
0x5c: {  	_ =	shalt  }
0x5d: {  	_ =	shalt  }
0x5e: {  	_ =	shalt  }
0x5f: {  	_ =	shalt  }
0x60: {  	_ =	shalt  }
0x61: {  	_ =	shalt  }
0x62: {  	_ =	shalt  }
0x63: {  	_ =	shalt  }
0x64: {  	_ =	shalt  }
0x65: {  	_ =	shalt  }
0x66: {  	_ =	shalt  }
0x67: {  	_ =	shalt  }
0x68: {  	_ =	shalt  }
0x69: {  	_ =	shalt  }
0x6a: {  	_ =	shalt  }
0x6b: {  	_ =	shalt  }
0x6c: {  	_ =	shalt  }
0x6d: {  	_ =	shalt  }
0x6e: {  	_ =	shalt  }
0x6f: {  	_ =	shalt  }
0x70: {  	_ =	shalt  }
0x71: {  	_ =	shalt  }
0x72: {  	_ =	shalt  }
0x73: {  	_ =	shalt  }
0x74: {  	_ =	shalt  }
0x75: {  	_ =	shalt  }
0x76: {  	_ =	shalt  }
0x77: {  	_ =	shalt  }
0x78: {  	_ =	shalt  }
0x79: {  	_ =	shalt  }
0x7a: {  	_ =	shalt  }
0x7b: {  	_ =	shalt  }
0x7c: {  	_ =	shalt  }
0x7d: {  	_ =	shalt  }
0x7e: {  	_ =	shalt  }
0x7f: {  	_ =	shalt  }
0x80: {  	_ =	shalt  }
0x81: {  	_ =	shalt  }
0x82: {  	_ =	shalt  }
0x83: {  	_ =	shalt  }
0x84: {  	_ =	shalt  }
0x85: {  	_ =	shalt  }
0x86: {  	_ =	shalt  }
0x87: {  	_ =	shalt  }
.Lfunc_end0:
.L_simem_size_0:
called_computation_lowered:
.L_overlay_start_0:
0x88: {  	s2 =	sld [smem:$0x3FD9]  }
0x89: {  	s3 =	sld [smem:$0x3FFE];
	_ =	sdelay $0x1  }
0x8a: {  	s1 =	srdreg.scid  }
0x8b: {  	s0 =	sand.u32 $0x1, s1  }
0x8c: {  	s18 =	sshll.u32 s0, $0xA;
	s2 =	sadd.s32 s3, s2  }
0x8d: {  	s2 =	sadd.s32 s2, s18  }
0x8e: {  	[smem:$0x3FC1] =	sst s2  }
0x8f: {  	_ = 	snop  }
0x90: {  	s2 =	sld [smem:$0x3FC8]  }
0x91: {  	s19 =	sld [smem:$0x3FD0];
	(tm) =	ssettm $0x1  }
0x92: {  	s4 =	sld [smem:$0x3FFB];
	_ =	sdelay $0x3  }
0x93: {  	_ =	strace s4  }
0x94: {  	s4 =	sld [smem:$0x3FFC];
	_ =	sdelay $0x3  }
0x95: {  	_ =	strace s4  }
0x96: {  	s4 =	sld [smem:$0x3FFD];
	_ =	sdelay $0x3  }
0x97: {  	_ =	strace s4  }
0x98: {  	_ =	strace $0x8FFFFFFF  }
0x99: {  	s20 =	sld [smem:$0x3FDB];
	_ =	sdelay $0x1  }
0x9a: {  	s5 =	simm.s32 $_scs_section_size  }
0x9b: {  	s6 =	simm.s32 $_size__tile_overlayer_lowered;
	s7 =	simm.s32 $_tile_overlayer_lowered  }
0x9c: {  	s23 =	simm.s32 $0x1BFF;
	s22 =	sshll.u32 s7, $0x1;
	s4 =	sadd.s32 s5, s20  }
0x9d: {  	s8 =	simm.s32 $0x0;
	s21 =	sshll.u32 s6, $0x1;
	s6 =	sadd.s32 s22, s4  }
0x9e: {  	[timem:s8], [sflag:s23] =	dma.local [hbm:s6], s21  }
0x9f: {  	_ =	swait.ge [sflag:s23], s21  }
0xa0: {  	s5 =	ssub.s32 $0x0, s21;
	[sflag:s23] =	ssyncset.done $0x0  }
0xa1: {  	[sflag:s23] =	ssyncadd.s32 s5;
	_ =	sdelay $0x1  }
0xa2: {  	s24 =	simm.s32 $0x1B8B  }
0xa3: {  	_ =	swait.ge [sflag:s24], $0x1  }
0xa4: {  	[sflag:s24] =	ssyncset.done $0x0  }
0xa5: {  	s25 =	simm.s32 $0x1B8E;
	[sflag:s24] =	ssyncadd.s32 $0xFFFFFFFF  }
0xa6: {  	s26 =	simm.s32 $execute0_lowered;
	[smem:$0x3FD2] =	sst s25  }
0xa7: {  	s5 =	sshll.u32 s26, $0x1;
	_ =	strace $0x80000046;
	[dreg:$0x1] =	wrdreg $0xFFFFFFFF  }
0xa8: {  	s28 =	simm.s32 $_size_execute0_lowered;
	s4 =	sadd.s32 s4, s5;
	[dreg:$0x0] =	wrdreg $0x0  }
0xa9: {  	s5 =	sshll.u32 s28, $0x1;
	[dreg:$0x2] =	wrdreg s4  }
0xaa: {  	[dreg:$0x3] =	wrdreg s5  }
0xab: {  	[dreg:$0x4] =	wrdreg $0xC0  }
0xac: {  	_ =	task [dreg:s8], $0x5FFFF  }
0xad: {  	[dreg:$0x1] =	wrdreg $0xFFFFFFFF  }
0xae: {  	[dreg:$0x0] =	wrdreg $0x60  }
0xaf: {  	[dreg:$0x2] =	wrdreg s2  }
0xb0: {  	[dreg:$0x3] =	wrdreg s19  }
0xb1: {  	[dreg:$0x4] =	wrdreg $0x9  }
0xb2: {  	_ =	task.clear_ibuf [dreg:s8], $0x5FFFF;
	_ =	strace $0x90000046  }
0xb3: {  	s29 =	simm.s32 $0x9;
	_ =	strace $0x80000048  }
0xb4: {  	_ =	swait.ge [sflag:s29], $0x1  }
0xb5: {  	[sflag:s29] =	ssyncadd.s32 $0xFFFFFFFF  }
0xb6: {  	_ =	strace $0x90000048  }
0xb7: {  	_ =	sfence  }
0xb8: {  	s30 =	sld [smem:$0x0];
	_ =	sdelay $0x2  }
0xb9: {  	s31 =	sshll.u32 s1, $0xD;
	s1 =	sshrl.u32 s1, $0x2  }
0xba: {  	s3 =	sand.u32 $0x4000, s31;
	s1 =	sadd.s32 s1, s30  }
0xbb: {  	s0 =	sor.u32 s3, s0;
	s1 =	sshll.u32 s1, $0x11  }
0xbc: {  	s0 =	sor.u32 s1, s0  }
0xbd: {  	s0 =	sadd.s32 $0x8F2B, s0  }
0xbe: {  	[sflag:s0] =	ssyncadd.remote.s32 $0x1  }
0xbf: {  	_ =	sfence.sel $0xFFFF  }
0xc0: {  	[dreg:$0x0] =	wrdreg $0xFFFFFFFF;
	(pc) =	sbr.abs _section_cstart, $3  }
0xc1: {  	[dreg:$0x1] =	wrdreg $0xFFFFFFFF  }
0xc2: {  	_ =	task.clear_ibuf [dreg:s8], $0x2FFFF;
	_ =	strace $0x9FFFFFFF  }
0xc3: {  	(tm) =	ssettm $0x7FFFFFFF  }
tec
execute0_lowered:
.L_overlay_start_1:
0x0: {  	(tag) =	ssettag $0x1  }
0x1: {  	s3 =	rddreg [dreg:$0x0]  }
0x2: {  	s4 =	rddreg [dreg:$0x1]  }
0x3: {  	s0 =	rddreg [dreg:$0x2];
	s2 =	simm.s32 $0x0;
	s5 =	srdreg.scid  }
0x4: {  	s1 =	stileid.u32;
	[smem:$0x7FF] =	sst s2;
	s5 =	sand.u32 $0x1, s5  }
0x5: {  	s7 =	sshll.u32 s1, $0x6;
	s6 =	ssub.s32 $0x2, s5;
	s5 =	sshll.u32 s5, $0x5  }
0x6: {  	_ =	strace $0x80000047;
	s8 =	sshrl.u32 s6, $0x1;
	s5 =	sor.u32 s5, s7  }
0x7: {  	s6 =	ssub.s32 s6, s8;
	s7 =	sshll.u32 s5, $0x5;
	s5 =	sshll.u32 s5, $0x4  }
0x8: {  	s8 =	simm.s32 $0x0;
	s3 =	sadd.s32 s3, s7;
	s4 =	sadd.s32 s4, s5  }
0x9: {  	vm0 =	vcmask $0xB08;
	vm1 =	vcmask $0x3F08;
	vm2 =	vcmask $0x3F04;
	s5 =	smax.u32 s6, $0x1;
	s6 =	simm.s32 $0x1;
	s7 =	simm.s32 $0x2000  }
.LBB2_1:
0xa: {  	[tilespmem:s2], [sflag:$0x1] =	stream.linear.gather [hbm4b:s3+s2], $0x2000, $0x38;
	[tilespmem:$0x3000] =	vst v63  }
0xb: {  	s9 =	simm.s32 $0x0;
	_ =	swait.ge [sflag:s6], $0x2000  }
0xc: {  	s10 =	sand.u32 $0x1800, s2;
	s9 =	sand.u32 $0x300, s9;
	[sflag:s6] =	ssyncset.done $0x0  }
0xd: {  	s11 =	sor.u32 s9, s10;
	[sflag:s6] =	ssyncadd.s32 $0xFFFFE000  }
0xe: {  	v12 =	vld [tilespmem:s11+$0x0]  }
0xf: {  	v14 =	vld [tilespmem:s11+$0x10]  }
0x10: {  	v10 =	vld [tilespmem:s11+$0x20]  }
0x11: {  	v27 =	vld [tilespmem:s11+$0x30]  }
0x12: {  	v26 =	vld [tilespmem:s11+$0x40]  }
0x13: {  	v5 =	vld [tilespmem:s11+$0x420]  }
0x14: {  	v24 =	vld [tilespmem:s11+$0x50]  }
0x15: {  	v20 =	vld [tilespmem:s11+$0x60]  }
0x16: {  	v19 =	vld [tilespmem:s11+$0x70]  }
0x17: {  	v13 =	vld [tilespmem:s11+$0x400]  }
0x18: {  	v9 =	vld [tilespmem:s11+$0x410];
	[tilespmem:$0x1FF50] =	vst v5  }
0x19: {  	v4 =	vld [tilespmem:s11+$0x430];
	_ =	sdelay $0x4  }
0x1a: {  	[tilespmem:$0x1FF60] =	vst v4  }
0x1b: {  	v3 =	vld [tilespmem:s11+$0x440];
	_ =	sdelay $0x4  }
0x1c: {  	[tilespmem:$0x1FF70] =	vst v3  }
0x1d: {  	v2 =	vld [tilespmem:s11+$0x450];
	_ =	sdelay $0x4  }
0x1e: {  	[tilespmem:$0x1FF80] =	vst v2  }
0x1f: {  	v1 =	vld [tilespmem:s11+$0x460]  }
0x20: {  	(xrf1) =	vsort.ascd.msk.f32 $0xffff, v12, v12  }
0x21: {  	(xrf1) =	vsort.dscd.msk.f32 $0xffff, v14, v14  }
0x22: {  	(xrf1) =	vsort.ascd.msk.f32 $0xffff, v10, v10  }
0x23: {  	(xrf1) =	vsort.dscd.msk.f32 $0xffff, v27, v27  }
0x24: {  	(xrf1) =	vsort.ascd.msk.f32 $0xffff, v26, v26;
	[tilespmem:$0x1FF90] =	vst v1  }
0x25: {  	(xrf1) =	vsort.dscd.msk.f32 $0xffff, v24, v24;
	v0 =	vld [tilespmem:s11+$0x470]  }
0x26: {  	(xrf1) =	vsort.ascd.msk.f32 $0xffff, v20, v20  }
0x27: {  	(xrf1) =	vsort.dscd.msk.f32 $0xffff, v19, v19  }
0x28: {  	s23 =	simm.s32 $0x80;
	(xrf1) =	vsort.ascd.msk.f32 $0xffff, v13, v13  }
0x29: {  	s9 =	sand.u32 $0x380, s23;
	(xrf1) =	vsort.dscd.msk.f32 $0xffff, v9, v9  }
0x2a: {  	s9 =	sor.u32 s9, s10;
	(xrf1) =	vsort.ascd.msk.f32 $0xffff, v5, v5;
	[tilespmem:$0x1FFA0] =	vst v0  }
0x2b: {  	(xrf1) =	vsort.dscd.msk.f32 $0xffff, v4, v4;
	v5 =	vld [tilespmem:s9+$0x0]  }
0x2c: {  	(xrf1) =	vsort.ascd.msk.f32 $0xffff, v3, v3;
	v15 =	vld [tilespmem:s9+$0x10]  }
0x2d: {  	(xrf1) =	vsort.dscd.msk.f32 $0xffff, v2, v2;
	v11 =	vld [tilespmem:s9+$0x20]  }
0x2e: {  	v2, _, _ =	vpop (xrf1);
	(xrf1) =	vsort.ascd.msk.f32 $0xffff, v1, v1;
	v46 =	vld [tilespmem:s9+$0x30]  }
0x2f: {  	v3, _, _ =	vpop (xrf1);
	(xrf1) =	vsort.dscd.msk.f32 $0xffff, v0, v0;
	v44 =	vld [tilespmem:s9+$0x40]  }
0x30: {  	v16, _, _ =	vpop (xrf1);
	v41 =	vld [tilespmem:s9+$0x50];
	(xrf1) =	vsort.ascd.msk.f32 $0xffff, v5, v5  }
0x31: {  	v17, _, _ =	vpop (xrf1);
	v38 =	vld [tilespmem:s9+$0x60];
	(xrf1) =	vsort.dscd.msk.f32 $0xffff, v15, v15  }
0x32: {  	v18, _, _ =	vpop (xrf1);
	v35 =	vld [tilespmem:s9+$0x70];
	(xrf1) =	vsort.ascd.msk.f32 $0xffff, v11, v11  }
0x33: {  	v21, _, _ =	vpop (xrf1);
	(xrf1) =	vsort.dscd.msk.f32 $0xffff, v46, v46  }
0x34: {  	v22, _, _ =	vpop (xrf1);
	(xrf1) =	vsort.ascd.msk.f32 $0xffff, v44, v44  }
0x35: {  	v23, _, _ =	vpop (xrf1);
	(xrf1) =	vsort.dscd.msk.f32 $0xffff, v41, v41  }
0x36: {  	v25, _, _ =	vpop (xrf1);
	(xrf1) =	vsort.ascd.msk.f32 $0xffff, v38, v38  }
0x37: {  	v28 =	vmax.f32 v2, v3;
	v29, _, _ =	vpop (xrf1);
	(xrf1) =	vsort.dscd.msk.f32 $0xffff, v35, v35  }
0x38: {  	v30 =	vmax.f32 v16, v17;
	v31, _, _ =	vpop (xrf1);
	(xrf1) =	vsort.ascd.msk.f32 $0xffff, v28, v28  }
0x39: {  	v43 =	vmax.f32 v18, v21;
	v32, _, _ =	vpop (xrf1);
	(xrf1) =	vsort.dscd.msk.f32 $0xffff, v30, v30  }
0x3a: {  	v45 =	vmax.f32 v22, v23;
	v33, _, _ =	vpop (xrf1);
	(xrf1) =	vsort.ascd.msk.f32 $0xffff, v43, v43  }
0x3b: {  	v47 =	vmax.f32 v25, v29;
	v34, _, _ =	vpop (xrf1);
	(xrf1) =	vsort.dscd.msk.f32 $0xffff, v45, v45  }
0x3c: {  	v48 =	vmax.f32 v31, v32;
	v40, _, _ =	vpop (xrf1);
	(xrf1) =	vsort.ascd.msk.f32 $0xffff, v47, v47  }
0x3d: {  	v49 =	vmax.f32 v33, v34;
	v42, _, _ =	vpop (xrf1);
	(xrf1) =	vsort.dscd.msk.f32 $0xffff, v48, v48  }
0x3e: {  	v16 =	vmin.f32 v16, v17;
	v50 =	vmax.f32 v40, v42;
	(xrf1) =	vsort.ascd.msk.f32 $0xffff, v49, v49;
	v45, _, _ =	vpop (xrf1)  }
0x3f: {  	v2 =	vmin.f32 v2, v3;
	(xrf1) =	vsort.dscd.msk.f32 $0xffff, v50, v50;
	v3, _, _ =	vpop (xrf1)  }
0x40: {  	(xrf1) =	vsort.dscd.msk.f32 $0xffff, v2, v2;
	v17, _, _ =	vpop (xrf1)  }
0x41: {  	v2 =	vmin.f32 v18, v21;
	(xrf1) =	vsort.ascd.msk.f32 $0xffff, v16, v16;
	v16, _, _ =	vpop (xrf1)  }
0x42: {  	v51 =	vmin.f32 v22, v23;
	(xrf1) =	vsort.dscd.msk.f32 $0xffff, v2, v2;
	v21, _, _ =	vpop (xrf1)  }
0x43: {  	v43 =	vld [tilespmem:s9+$0x400];
	v2 =	vmin.f32 v25, v29;
	(xrf1) =	vsort.ascd.msk.f32 $0xffff, v51, v51;
	v18, _, _ =	vpop (xrf1)  }
0x44: {  	v52 =	vmin.f32 v31, v32;
	v39 =	vld [tilespmem:s9+$0x410];
	(xrf1) =	vsort.dscd.msk.f32 $0xffff, v2, v2;
	v23, _, _ =	vpop (xrf1)  }
0x45: {  	v37 =	vld [tilespmem:s9+$0x420];
	v2 =	vmin.f32 v33, v34;
	(xrf1) =	vsort.ascd.msk.f32 $0xffff, v52, v52;
	v22, _, _ =	vpop (xrf1)  }
0x46: {  	v36 =	vld [tilespmem:s9+$0x430];
	v53 =	vmin.f32 v40, v42;
	v54, _, _ =	vpop (xrf1);
	(xrf1) =	vsort.dscd.msk.f32 $0xffff, v2, v2  }
0x47: {  	v34 =	vld [tilespmem:s9+$0x440];
	v55, _, _ =	vpop (xrf1);
	(xrf1) =	vsort.ascd.msk.f32 $0xffff, v53, v53  }
0x48: {  	v33 =	vld [tilespmem:s9+$0x450];
	v56, _, _ =	vpop (xrf1);
	(xrf1) =	vsort.ascd.msk.f32 $0xffff, v43, v43  }
0x49: {  	v28 =	vld [tilespmem:s9+$0x460];
	v57, _, _ =	vpop (xrf1);
	(xrf1) =	vsort.dscd.msk.f32 $0xffff, v39, v39  }
0x4a: {  	v0 =	vld [tilespmem:s9+$0x470];
	v58, _, _ =	vpop (xrf1);
	(xrf1) =	vsort.ascd.msk.f32 $0xffff, v37, v37  }
0x4b: {  	v59, _, _ =	vpop (xrf1);
	(xrf1) =	vsort.dscd.msk.f32 $0xffff, v36, v36  }
0x4c: {  	v60, _, _ =	vpop (xrf1);
	(xrf1) =	vsort.ascd.msk.f32 $0xffff, v34, v34  }
0x4d: {  	v47, _, _ =	vpop (xrf1);
	(xrf1) =	vsort.dscd.msk.f32 $0xffff, v33, v33  }
0x4e: {  	v48, _, _ =	vpop (xrf1);
	(xrf1) =	vsort.ascd.msk.f32 $0xffff, v28, v28  }
0x4f: {  	v29 =	vmax.f32 v54, v55;
	v61, _, _ =	vpop (xrf1);
	(xrf1) =	vsort.dscd.msk.f32 $0xffff, v0, v0  }
0x50: {  	v25 =	vmax.f32 v56, v57;
	v62, _, _ =	vpop (xrf1);
	(xrf1) =	vsort.ascd.msk.f32 $0xffff, v29, v29  }
0x51: {  	v63 =	vmax.f32 v58, v59;
	v49, _, _ =	vpop (xrf1);
	(xrf1) =	vsort.dscd.msk.f32 $0xffff, v25, v25  }
0x52: {  	v50 =	vmax.f32 v60, v47;
	v51, _, _ =	vpop (xrf1);
	(xrf1) =	vsort.ascd.msk.f32 $0xffff, v63, v63  }
0x53: {  	v53, _, _ =	vpop (xrf1);
	(xrf1) =	vsort.dscd.msk.f32 $0xffff, v50, v50  }
0x54: {  	v52 =	vmin.f32 v48, v61;
	v55, _, _ =	vpop (xrf1)  }
0x55: {  	v54 =	vmin.f32 v62, v49;
	(xrf1) =	vsort.dscd.msk.f32 $0xffff, v52, v52;
	v57, _, _ =	vpop (xrf1)  }
0x56: {  	v56 =	vmin.f32 v51, v53;
	(xrf1) =	vsort.ascd.msk.f32 $0xffff, v54, v54;
	v29, _, _ =	vpop (xrf1)  }
0x57: {  	v58 =	vmin.f32 v55, v57;
	(xrf1) =	vsort.dscd.msk.f32 $0xffff, v56, v56;
	v25, _, _ =	vpop (xrf1)  }
0x58: {  	v59 =	vmin.f32 v45, v3;
	(xrf1) =	vsort.ascd.msk.f32 $0xffff, v58, v58;
	v32, _, _ =	vpop (xrf1)  }
0x59: {  	v60 =	vmin.f32 v17, v16;
	(xrf1) =	vsort.dscd.msk.f32 $0xffff, v59, v59;
	v30, _, _ =	vpop (xrf1)  }
0x5a: {  	v61 =	vmin.f32 v21, v18;
	(xrf1) =	vsort.ascd.msk.f32 $0xffff, v60, v60;
	v40, _, _ =	vpop (xrf1)  }
0x5b: {  	v62 =	vmin.f32 v23, v22;
	(xrf1) =	vsort.dscd.msk.f32 $0xffff, v61, v61;
	v31, _, _ =	vpop (xrf1)  }
0x5c: {  	v63 =	vmin.f32 v29, v25;
	(xrf1) =	vsort.ascd.msk.f32 $0xffff, v62, v62;
	v52, _, _ =	vpop (xrf1)  }
0x5d: {  	v53 =	vmin.f32 v32, v30;
	(xrf1) =	vsort.dscd.msk.f32 $0xffff, v63, v63;
	v54, _, _ =	vpop (xrf1)  }
0x5e: {  	v3 =	vmax.f32 v45, v3;
	v49 =	vmin.f32 v40, v31;
	(xrf1) =	vsort.ascd.msk.f32 $0xffff, v53, v53;
	v55, _, _ =	vpop (xrf1)  }
0x5f: {  	v50 =	vmin.f32 v52, v54;
	(xrf1) =	vsort.dscd.msk.f32 $0xffff, v49, v49;
	v56, _, _ =	vpop (xrf1)  }
0x60: {  	v16 =	vmax.f32 v17, v16;
	(xrf1) =	vsort.ascd.msk.f32 $0xffff, v50, v50;
	v57, _, _ =	vpop (xrf1)  }
0x61: {  	[tilespmem:$0x1FFB0] =	vst v0;
	(xrf1) =	vsort.ascd.msk.f32 $0xffff, v3, v3;
	v3, _, _ =	vpop (xrf1)  }
0x62: {  	(xrf1) =	vsort.dscd.msk.f32 $0xffff, v16, v16  }
0x63: {  	v58 =	vmax.f32 v21, v18;
	v16, _, _ =	vpop (xrf1)  }
0x64: {  	v59 =	vmax.f32 v55, v56;
	(xrf1) =	vsort.ascd.msk.f32 $0xffff, v58, v58;
	v60, _, _ =	vpop (xrf1)  }
0x65: {  	v3 =	vmax.f32 v57, v3;
	(xrf1) =	vsort.ascd.msk.f32 $0xffff, v59, v59;
	v61, _, _ =	vpop (xrf1)  }
0x66: {  	(xrf1) =	vsort.dscd.msk.f32 $0xffff, v3, v3;
	v3 =	vmin.f32 v16, v60;
	v62, _, _ =	vpop (xrf1)  }
0x67: {  	(xrf1) =	vsort.dscd.msk.f32 $0xffff, v3, v3;
	v16 =	vmin.f32 v61, v62;
	v63, _, _ =	vpop (xrf1)  }
0x68: {  	v25 =	vmax.f32 v29, v25;
	v3 =	vmax.f32 v23, v22;
	(xrf1) =	vsort.ascd.msk.f32 $0xffff, v16, v16;
	v29, _, _ =	vpop (xrf1)  }
0x69: {  	(xrf1) =	vsort.dscd.msk.f32 $0xffff, v3, v3;
	v45, _, _ =	vpop (xrf1)  }
0x6a: {  	v3 =	vmax.f32 v32, v30;
	(xrf1) =	vsort.ascd.msk.f32 $0xffff, v25, v25;
	v49, _, _ =	vpop (xrf1)  }
0x6b: {  	v48 =	vmax.f32 v40, v31;
	(xrf1) =	vsort.dscd.msk.f32 $0xffff, v3, v3;
	v50, _, _ =	vpop (xrf1)  }
0x6c: {  	v3 =	vmax.f32 v52, v54;
	(xrf1) =	vsort.ascd.msk.f32 $0xffff, v48, v48;
	v52, _, _ =	vpop (xrf1)  }
0x6d: {  	v51 =	vmin.f32 v63, v29;
	(xrf1) =	vsort.dscd.msk.f32 $0xffff, v3, v3;
	v53, _, _ =	vpop (xrf1)  }
0x6e: {  	v3 =	vmin.f32 v45, v49;
	(xrf1) =	vsort.dscd.msk.f32 $0xffff, v51, v51;
	v55, _, _ =	vpop (xrf1)  }
0x6f: {  	v54 =	vmin.f32 v50, v52;
	(xrf1) =	vsort.ascd.msk.f32 $0xffff, v3, v3;
	v3 =	vmin.f32 v53, v55  }
0x70: {  	v56, _, _ =	vpop (xrf1);
	(xrf1) =	vsort.dscd.msk.f32 $0xffff, v54, v54  }
0x71: {  	v57, _, _ =	vpop (xrf1);
	(xrf1) =	vsort.ascd.msk.f32 $0xffff, v3, v3  }
0x72: {  	v3, _, _ =	vpop (xrf1)  }
0x73: {  	v23, _, _ =	vpop (xrf1)  }
0x74: {  	v25, _, _ =	vpop (xrf1)  }
0x75: {  	v21, _, _ =	vpop (xrf1)  }
0x76: {  	v22, _, _ =	vpop (xrf1)  }
0x77: {  	v58, _, _ =	vpop (xrf1)  }
0x78: {  	v59, _, _ =	vpop (xrf1)  }
0x79: {  	v60, _, _ =	vpop (xrf1)  }
0x7a: {  	v61, _, _ =	vpop (xrf1)  }
0x7b: {  	v16 =	vmax.f32 v56, v57;
	v62, _, _ =	vpop (xrf1)  }
0x7c: {  	s24 =	simm.s32 $0x100;
	s25 =	simm.s32 $0x200;
	(xrf1) =	vsort.ascd.msk.f32 $0xffff, v16, v16;
	v3 =	vmax.f32 v3, v58;
	v63, _, _ =	vpop (xrf1)  }
0x7d: {  	s10 =	sand.u32 $0x1800, s25;
	s9 =	sand.u32 $0x300, s24;
	(xrf1) =	vsort.dscd.msk.f32 $0xffff, v3, v3;
	v3 =	vmax.f32 v59, v60;
	v30, _, _ =	vpop (xrf1)  }
0x7e: {  	s26 =	sor.u32 s9, s10;
	(xrf1) =	vsort.ascd.msk.f32 $0xffff, v3, v3;
	v3 =	vmax.f32 v61, v62;
	v31, _, _ =	vpop (xrf1)  }
0x7f: {  	v57 =	vld [tilespmem:s26+$0x0];
	(xrf1) =	vsort.dscd.msk.f32 $0xffff, v3, v3;
	v3 =	vmin.f32 v63, v30;
	v32, _, _ =	vpop (xrf1)  }
0x80: {  	v58 =	vld [tilespmem:s26+$0x10];
	(xrf1) =	vsort.dscd.msk.f32 $0xffff, v3, v3;
	v3 =	vmin.f32 v31, v32  }
0x81: {  	v59 =	vld [tilespmem:s26+$0x20];
	(xrf1) =	vsort.ascd.msk.f32 $0xffff, v3, v3  }
0x82: {  	v56 =	vld [tilespmem:s26+$0x30]  }
0x83: {  	v55 =	vld [tilespmem:s26+$0x40]  }
0x84: {  	v54 =	vld [tilespmem:s26+$0x50];
	(xrf1) =	vsort.ascd.msk.f32 $0xffff, v57, v57  }
0x85: {  	v53 =	vld [tilespmem:s26+$0x60];
	(xrf1) =	vsort.dscd.msk.f32 $0xffff, v58, v58  }
0x86: {  	v52 =	vld [tilespmem:s26+$0x70];
	(xrf1) =	vsort.ascd.msk.f32 $0xffff, v59, v59  }
0x87: {  	v51 =	vld [tilespmem:s26+$0x400];
	(xrf1) =	vsort.dscd.msk.f32 $0xffff, v56, v56  }
0x88: {  	v50 =	vld [tilespmem:s26+$0x410];
	(xrf1) =	vsort.ascd.msk.f32 $0xffff, v55, v55  }
0x89: {  	v49 =	vld [tilespmem:s26+$0x420];
	(xrf1) =	vsort.dscd.msk.f32 $0xffff, v54, v54  }
0x8a: {  	v48 =	vld [tilespmem:s26+$0x430];
	v30, _, _ =	vpop (xrf1);
	(xrf1) =	vsort.ascd.msk.f32 $0xffff, v53, v53  }
0x8b: {  	v47 =	vld [tilespmem:s26+$0x440];
	v32, _, _ =	vpop (xrf1);
	(xrf1) =	vsort.dscd.msk.f32 $0xffff, v52, v52  }
0x8c: {  	s28 =	simm.s32 $0x180;
	v45 =	vld [tilespmem:s26+$0x450];
	v29, _, _ =	vpop (xrf1);
	(xrf1) =	vsort.ascd.msk.f32 $0xffff, v51, v51  }
0x8d: {  	s9 =	sand.u32 $0x380, s28;
	v42 =	vld [tilespmem:s26+$0x460];
	(xrf1) =	vsort.dscd.msk.f32 $0xffff, v50, v50;
	v31, _, _ =	vpop (xrf1)  }
0x8e: {  	s9 =	sor.u32 s9, s10;
	v40 =	vld [tilespmem:s26+$0x470];
	(xrf1) =	vsort.ascd.msk.f32 $0xffff, v49, v49;
	v0, _, _ =	vpop (xrf1)  }
0x8f: {  	v16 =	vld [tilespmem:s9+$0x0];
	v60 =	vmul.f32 v5, v5;
	v61 =	vmul.f32 v15, v15;
	(xrf1) =	vsort.dscd.msk.f32 $0xffff, v48, v48;
	[tilespmem:$0x1FFC0] =	vst v0;
	v0, _, _ =	vpop (xrf1)  }
0x90: {  	(xrf1) =	vsort.ascd.msk.f32 $0xffff, v47, v47;
	v18 =	vld [tilespmem:s9+$0x10];
	[tilespmem:$0x1FFD0] =	vst v0  }
0x91: {  	v63 =	vmul.f32 v11, v11;
	v60 =	vadd.f32 v61, v60;
	(xrf1) =	vsort.dscd.msk.f32 $0xffff, v45, v45;
	v17 =	vld [tilespmem:s9+$0x20]  }
0x92: {  	(xrf1) =	vsort.ascd.msk.f32 $0xffff, v42, v42;
	v15 =	vld [tilespmem:s9+$0x30]  }
0x93: {  	v46 =	vmul.f32 v46, v46;
	v63 =	vadd.f32 v63, v60;
	v62, _, _ =	vpop (xrf1);
	v11 =	vld [tilespmem:s9+$0x40];
	(xrf1) =	vsort.dscd.msk.f32 $0xffff, v40, v40  }
0x94: {  	v14 =	vmul.f32 v14, v14;
	v0 =	vmul.f32 v12, v12;
	v61, _, _ =	vpop (xrf1);
	v12 =	vld [tilespmem:s9+$0x50];
	(xrf1) =	vsort.ascd.msk.f32 $0xffff, v16, v16  }
0x95: {  	v44 =	vmul.f32 v44, v44;
	v46 =	vadd.f32 v46, v63;
	v60 =	vld [tilespmem:s9+$0x60];
	v8, _, _ =	vpop (xrf1);
	(xrf1) =	vsort.dscd.msk.f32 $0xffff, v18, v18  }
0x96: {  	v0 =	vadd.f32 v14, v0;
	v14 =	vmul.f32 v10, v10;
	v10 =	vld [tilespmem:s9+$0x70];
	v7, _, _ =	vpop (xrf1);
	(xrf1) =	vsort.ascd.msk.f32 $0xffff, v17, v17  }
0x97: {  	v41 =	vmul.f32 v41, v41;
	v44 =	vadd.f32 v44, v46;
	v6, _, _ =	vpop (xrf1);
	(xrf1) =	vsort.dscd.msk.f32 $0xffff, v15, v15  }
0x98: {  	v0 =	vadd.f32 v14, v0;
	v14 =	vmul.f32 v27, v27;
	v63, _, _ =	vpop (xrf1);
	(xrf1) =	vsort.ascd.msk.f32 $0xffff, v11, v11  }
0x99: {  	v41 =	vadd.f32 v41, v44;
	v44 =	vmax.f32 v62, v61;
	v27, _, _ =	vpop (xrf1);
	(xrf1) =	vsort.dscd.msk.f32 $0xffff, v12, v12  }
0x9a: {  	v0 =	vadd.f32 v14, v0;
	v14 =	vmul.f32 v26, v26;
	v46, _, _ =	vpop (xrf1);
	(xrf1) =	vsort.ascd.msk.f32 $0xffff, v60, v60  }
0x9b: {  	v24 =	vmul.f32 v24, v24;
	v26, _, _ =	vpop (xrf1);
	(xrf1) =	vsort.dscd.msk.f32 $0xffff, v10, v10  }
0x9c: {  	v0 =	vadd.f32 v14, v0;
	v14 =	vmax.f32 v8, v7;
	v5, _, _ =	vpop (xrf1);
	(xrf1) =	vsort.ascd.msk.f32 $0xffff, v44, v44  }
0x9d: {  	v44, _, _ =	vpop (xrf1);
	(xrf1) =	vsort.dscd.msk.f32 $0xffff, v14, v14;
	v14 =	vmul.f32 v38, v38;
	v38 =	vmax.f32 v6, v63  }
0x9e: {  	v3, _, _ =	vpop (xrf1);
	(xrf1) =	vsort.ascd.msk.f32 $0xffff, v38, v38;
	v38 =	vmax.f32 v27, v46  }
0x9f: {  	v24 =	vadd.f32 v24, v0;
	v4, _, _ =	vpop (xrf1);
	(xrf1) =	vsort.dscd.msk.f32 $0xffff, v38, v38;
	v38 =	vmax.f32 v26, v5  }
0xa0: {  	v0 =	vmax.f32 v44, v3;
	v14 =	vadd.f32 v14, v41;
	v41, _, _ =	vpop (xrf1);
	(xrf1) =	vsort.ascd.msk.f32 $0xffff, v38, v38  }
0xa1: {  	v2, _, _ =	vpop (xrf1);
	v38 =	vmax.f32 v4, v41;
	(xrf1) =	vsort.dscd.msk.f32 $0xffff, v0, v0;
	v0 =	vmul.f32 v35, v35  }
0xa2: {  	v1, _, _ =	vpop (xrf1)  }
0xa3: {  	(xrf1) =	vsort.ascd.msk.f32 $0xffff, v38, v38;
	v35 =	vmax.f32 v2, v1  }
0xa4: {  	v20 =	vmul.f32 v20, v20;
	v61 =	vmin.f32 v62, v61;
	v38, _, _ =	vpop (xrf1);
	(xrf1) =	vsort.dscd.msk.f32 $0xffff, v35, v35  }
0xa5: {  	v8 =	vmin.f32 v8, v7;
	v14 =	vadd.f32 v0, v14;
	v0, _, _ =	vpop (xrf1);
	(xrf1) =	vsort.dscd.msk.f32 $0xffff, v61, v61  }
0xa6: {  	v20 =	vadd.f32 v20, v24;
	v6 =	vmin.f32 v6, v63;
	v7, _, _ =	vpop (xrf1);
	(xrf1) =	vsort.ascd.msk.f32 $0xffff, v8, v8  }
0xa7: {  	v8 =	vmul.f32 v43, v43;
	v43, _, _ =	vpop (xrf1);
	(xrf1) =	vsort.dscd.msk.f32 $0xffff, v6, v6;
	v6 =	vmul.f32 v19, v19;
	_ =	sdelay $0x1  }
0xa8: {  	v1 =	vmin.f32 v2, v1;
	v2 =	vmul.f32 v13, v13;
	v6 =	vadd.f32 v6, v20;
	_ =	sdelay $0x1  }
0xa9: {  	v2 =	vadd.f32 v2, v6;
	v6 =	vmul.f32 v9, v9;
	_ =	sdelay $0x1  }
0xaa: {  	v2 =	vadd.f32 v6, v2;
	v6 =	vld [tilespmem:$0x1FF50];
	_ =	sdelay $0x4  }
0xab: {  	v6 =	vmul.f32 v6, v6  }
0xac: {  	v35 =	vmin.f32 v27, v46;
	v27 =	vld [tilespmem:s9+$0x400]  }
0xad: {  	v5 =	vmin.f32 v26, v5;
	v46, _, _ =	vpop (xrf1);
	(xrf1) =	vsort.ascd.msk.f32 $0xffff, v35, v35;
	v2 =	vadd.f32 v6, v2;
	v6 =	vld [tilespmem:$0x1FF60]  }
0xae: {  	v3 =	vmin.f32 v44, v3;
	v26 =	vld [tilespmem:s9+$0x410];
	v8 =	vadd.f32 v8, v14;
	v14, _, _ =	vpop (xrf1);
	(xrf1) =	vsort.dscd.msk.f32 $0xffff, v5, v5  }
0xaf: {  	v4 =	vmin.f32 v4, v41;
	v5 =	vmul.f32 v39, v39;
	v20 =	vld [tilespmem:s9+$0x420];
	v35, _, _ =	vpop (xrf1);
	(xrf1) =	vsort.ascd.msk.f32 $0xffff, v3, v3  }
0xb0: {  	v24 =	vld [tilespmem:s9+$0x430];
	v39, _, _ =	vpop (xrf1);
	(xrf1) =	vsort.dscd.msk.f32 $0xffff, v4, v4  }
0xb1: {  	v19 =	vld [tilespmem:s9+$0x440];
	v4 =	vadd.f32 v5, v8;
	v5 =	vmul.f32 v37, v37;
	v3, _, _ =	vpop (xrf1);
	(xrf1) =	vsort.ascd.msk.f32 $0xffff, v1, v1  }
0xb2: {  	v13 =	vld [tilespmem:s9+$0x450];
	v1, _, _ =	vpop (xrf1);
	(xrf1) =	vsort.ascd.msk.f32 $0xffff, v27, v27;
	v6 =	vmul.f32 v6, v6  }
0xb3: {  	v9 =	vld [tilespmem:s9+$0x460];
	v4 =	vadd.f32 v5, v4;
	v5 =	vmul.f32 v36, v36;
	v37, _, _ =	vpop (xrf1);
	(xrf1) =	vsort.dscd.msk.f32 $0xffff, v26, v26  }
0xb4: {  	v36, _, _ =	vpop (xrf1);
	(xrf1) =	vsort.ascd.msk.f32 $0xffff, v20, v20;
	v2 =	vadd.f32 v6, v2;
	v6 =	vld [tilespmem:$0x1FF70]  }
0xb5: {  	v8 =	vld [tilespmem:s9+$0x470];
	v4 =	vadd.f32 v5, v4;
	v5 =	vmul.f32 v34, v34;
	v41, _, _ =	vpop (xrf1);
	(xrf1) =	vsort.dscd.msk.f32 $0xffff, v24, v24  }
0xb6: {  	v34, _, _ =	vpop (xrf1);
	(xrf1) =	vsort.ascd.msk.f32 $0xffff, v19, v19  }
0xb7: {  	v4 =	vadd.f32 v5, v4;
	v5 =	vmul.f32 v33, v33;
	v44, _, _ =	vpop (xrf1);
	(xrf1) =	vsort.dscd.msk.f32 $0xffff, v13, v13  }
0xb8: {  	v1 =	vmax.f32 v3, v1;
	v33, _, _ =	vpop (xrf1);
	(xrf1) =	vsort.ascd.msk.f32 $0xffff, v9, v9  }
0xb9: {  	v62, _, _ =	vpop (xrf1);
	v61 =	vmul.f32 v6, v6;
	v6 =	vadd.f32 v5, v4;
	v4 =	vmax.f32 v37, v36  }
0xba: {  	(xrf1) =	vsort.dscd.msk.f32 $0xffff, v8, v8;
	v3, _, _ =	vpop (xrf1)  }
0xbb: {  	(xrf1) =	vsort.ascd.msk.f32 $0xffff, v1, v1;
	v1, _, _ =	vpop (xrf1)  }
0xbc: {  	v5 =	vmax.f32 v41, v34;
	(xrf1) =	vsort.dscd.msk.f32 $0xffff, v4, v4;
	v4, _, _ =	vpop (xrf1)  }
0xbd: {  	v33 =	vmax.f32 v44, v33;
	v2 =	vadd.f32 v61, v2;
	v61, _, _ =	vpop (xrf1);
	(xrf1) =	vsort.ascd.msk.f32 $0xffff, v5, v5  }
0xbe: {  	v3 =	vmin.f32 v62, v3;
	v62, _, _ =	vpop (xrf1);
	(xrf1) =	vsort.dscd.msk.f32 $0xffff, v33, v33  }
0xbf: {  	v1 =	vmin.f32 v1, v4;
	(xrf1) =	vsort.dscd.msk.f32 $0xffff, v3, v3  }
0xc0: {  	v4, _, _ =	vpop (xrf1);
	(xrf1) =	vsort.ascd.msk.f32 $0xffff, v1, v1;
	v1 =	vld [tilespmem:$0x1FF80];
	_ =	sdelay $0x1  }
0xc1: {  	v57 =	vmul.f32 v57, v57;
	v5 =	vmul.f32 v58, v58;
	_ =	sdelay $0x1  }
0xc2: {  	v3 =	vadd.f32 v5, v57;
	v5 =	vmin.f32 v61, v62;
	v37, _, _ =	vpop (xrf1)  }
0xc3: {  	v55 =	vmul.f32 v55, v55;
	v4 =	vmin.f32 v4, v37;
	v1 =	vmul.f32 v1, v1  }
0xc4: {  	v53 =	vmul.f32 v53, v53;
	v63 =	vmul.f32 v59, v59  }
0xc5: {  	(xrf1) =	vsort.dscd.msk.f32 $0xffff, v5, v5;
	v5, _, _ =	vpop (xrf1);
	v1 =	vadd.f32 v1, v2;
	v2 =	vmin.f32 v38, v0  }
0xc6: {  	v41 =	vmul.f32 v56, v56;
	v3 =	vadd.f32 v63, v3;
	(xrf1) =	vsort.ascd.msk.f32 $0xffff, v4, v4;
	v4, _, _ =	vpop (xrf1)  }
0xc7: {  	v52 =	vmul.f32 v52, v52;
	v44 =	vmin.f32 v7, v43;
	v36, _, _ =	vpop (xrf1);
	(xrf1) =	vsort.dscd.msk.f32 $0xffff, v2, v2  }
0xc8: {  	v56 =	vmin.f32 v46, v14;
	v3 =	vadd.f32 v41, v3;
	(xrf1) =	vsort.ascd.msk.f32 $0xffff, v44, v44;
	v2, _, _ =	vpop (xrf1)  }
0xc9: {  	v59 =	vld [tilespmem:$0x1FF90];
	v58 =	vmul.f32 v54, v54;
	v57 =	vmin.f32 v35, v39;
	v33, _, _ =	vpop (xrf1);
	(xrf1) =	vsort.dscd.msk.f32 $0xffff, v56, v56  }
0xca: {  	v3 =	vadd.f32 v55, v3;
	v61 =	vmin.f32 v5, v4;
	v37, _, _ =	vpop (xrf1);
	(xrf1) =	vsort.ascd.msk.f32 $0xffff, v57, v57  }
0xcb: {  	v7 =	vmax.f32 v7, v43;
	v62 =	vmin.f32 v36, v2;
	v41, _, _ =	vpop (xrf1);
	(xrf1) =	vsort.dscd.msk.f32 $0xffff, v61, v61  }
0xcc: {  	v3 =	vadd.f32 v58, v3;
	v63 =	vmin.f32 v33, v37;
	v34, _, _ =	vpop (xrf1);
	(xrf1) =	vsort.ascd.msk.f32 $0xffff, v62, v62  }
0xcd: {  	v0 =	vmax.f32 v38, v0;
	v57, _, _ =	vpop (xrf1);
	v58 =	vmin.f32 v41, v34;
	(xrf1) =	vsort.dscd.msk.f32 $0xffff, v63, v63  }
0xce: {  	v44 =	vmul.f32 v59, v59;
	v3 =	vadd.f32 v53, v3;
	v59, _, _ =	vpop (xrf1);
	(xrf1) =	vsort.ascd.msk.f32 $0xffff, v58, v58  }
0xcf: {  	v14 =	vmax.f32 v46, v14;
	v61, _, _ =	vpop (xrf1);
	(xrf1) =	vsort.ascd.msk.f32 $0xffff, v0, v0  }
0xd0: {  	v3 =	vadd.f32 v52, v3;
	v62 =	vmul.f32 v51, v51;
	v0, _, _ =	vpop (xrf1);
	(xrf1) =	vsort.dscd.msk.f32 $0xffff, v7, v7  }
0xd1: {  	v52 =	vmul.f32 v50, v50;
	v63 =	vmax.f32 v57, v59;
	v7, _, _ =	vpop (xrf1);
	(xrf1) =	vsort.ascd.msk.f32 $0xffff, v14, v14  }
0xd2: {  	v3 =	vadd.f32 v62, v3;
	v0 =	vmax.f32 v61, v0;
	v46, _, _ =	vpop (xrf1);
	(xrf1) =	vsort.ascd.msk.f32 $0xffff, v63, v63  }
0xd3: {  	v51, _, _ =	vpop (xrf1);
	(xrf1) =	vsort.dscd.msk.f32 $0xffff, v0, v0;
	v0 =	vmin.f32 v7, v46  }
0xd4: {  	v3 =	vadd.f32 v52, v3;
	v7, _, _ =	vpop (xrf1);
	(xrf1) =	vsort.dscd.msk.f32 $0xffff, v0, v0;
	v0 =	vmul.f32 v49, v49  }
0xd5: {  	v53 =	vmax.f32 v35, v39;
	v7 =	vmin.f32 v51, v7  }
0xd6: {  	v54, _, _ =	vpop (xrf1);
	(xrf1) =	vsort.ascd.msk.f32 $0xffff, v7, v7;
	v0 =	vadd.f32 v0, v3;
	v3 =	vmul.f32 v48, v48  }
0xd7: {  	v4 =	vmax.f32 v5, v4;
	v5, _, _ =	vpop (xrf1);
	(xrf1) =	vsort.dscd.msk.f32 $0xffff, v53, v53  }
0xd8: {  	v2 =	vmax.f32 v36, v2;
	v7, _, _ =	vpop (xrf1);
	(xrf1) =	vsort.ascd.msk.f32 $0xffff, v4, v4  }
0xd9: {  	v4 =	vmax.f32 v33, v37;
	v56, _, _ =	vpop (xrf1);
	(xrf1) =	vsort.dscd.msk.f32 $0xffff, v2, v2  }
0xda: {  	v0 =	vadd.f32 v3, v0;
	v3, _, _ =	vpop (xrf1);
	(xrf1) =	vsort.ascd.msk.f32 $0xffff, v4, v4;
	v4 =	vld [tilespmem:$0x1FFA0];
	_ =	sdelay $0x2  }
0xdb: {  	v2 =	vmul.f32 v47, v47  }
0xdc: {  	v55 =	vmax.f32 v41, v34;
	v5 =	vmin.f32 v54, v5  }
0xdd: {  	v57, _, _ =	vpop (xrf1);
	(xrf1) =	vsort.dscd.msk.f32 $0xffff, v55, v55;
	v0 =	vadd.f32 v2, v0;
	v4 =	vmul.f32 v4, v4  }
0xde: {  	v2 =	vmin.f32 v7, v56;
	v7, _, _ =	vpop (xrf1);
	(xrf1) =	vsort.dscd.msk.f32 $0xffff, v5, v5;
	v5 =	vmul.f32 v45, v45  }
0xdf: {  	v1 =	vadd.f32 v44, v1  }
0xe0: {  	v3 =	vmin.f32 v3, v57;
	v58, _, _ =	vpop (xrf1);
	(xrf1) =	vsort.ascd.msk.f32 $0xffff, v2, v2  }
0xe1: {  	v2 =	vmin.f32 v7, v58;
	v1 =	vadd.f32 v4, v1;
	v4, _, _ =	vpop (xrf1);
	(xrf1) =	vsort.dscd.msk.f32 $0xffff, v3, v3  }
0xe2: {  	v0 =	vadd.f32 v5, v0;
	v5, _, _ =	vpop (xrf1);
	(xrf1) =	vsort.ascd.msk.f32 $0xffff, v2, v2;
	v2 =	vld [tilespmem:$0x1FFB0];
	_ =	sdelay $0x2  }
0xe3: {  	v28 =	vmul.f32 v28, v28  }
0xe4: {  	v3 =	vmul.f32 v42, v42  }
0xe5: {  	v6 =	vadd.f32 v28, v6;
	v2 =	vmul.f32 v2, v2  }
0xe6: {  	(xrf2) =	vadd.scan.msk.f32 $0xffff, v1;
	v1 =	vmax.f32 v23, v25;
	v0 =	vadd.f32 v3, v0;
	v3 =	vmul.f32 v40, v40  }
0xe7: {  	(xrf2) =	vadd.scan.msk.f32 $0xffff, v1;
	v1 =	vmin.f32 v21, v22;
	v7, _, _ =	vpop (xrf1);
	v2 =	vadd.f32 v2, v6  }
0xe8: {  	(xrf2) =	vadd.scan.msk.f32 $0xffff, v1;
	v59, _, _ =	vpop (xrf1);
	v0 =	vadd.f32 v3, v0  }
0xe9: {  	v6, _, _ =	vpop (xrf1);
	(xrf2) =	vadd.scan.msk.f32 $0xffff, v2  }
0xea: {  	v1, _, _ =	vpop (xrf1);
	(xrf2) =	vadd.scan.msk.f32 $0xffff, v0;
	v0 =	vmax.f32 v59, v6  }
0xeb: {  	v2, _, _ =	vpop (xrf1)  }
0xec: {  	v4 =	vmax.f32 v4, v5;
	(xrf2) =	vadd.scan.msk.f32 $0xffff, v0;
	v3, _, _ =	vpop (xrf1);
	v1 =	vmin.f32 v1, v2  }
0xed: {  	v0, _, _ =	vpop (xrf1);
	(xrf1) =	vsort.ascd.msk.f32 $0xffff, v4, v4;
	v3 =	vmax.f32 v7, v3  }
0xee: {  	(xrf2) =	vadd.scan.msk.f32 $0xffff, v1;
	v2, _, _ =	vpop (xrf1)  }
0xef: {  	v4 =	vmax.f32 v30, v32;
	(xrf1) =	vsort.dscd.msk.f32 $0xffff, v3, v3;
	v1, _, _ =	vpop (xrf1);
	v0 =	vmax.f32 v0, v2  }
0xf0: {  	s29 =	simm.s32 $0x200;
	s9 =	simm.s32 $0x400;
	(xrf1) =	vsort.ascd.msk.f32 $0xffff, v4, v4;
	v3, _, _ =	vpop (xrf1)  }
0xf1: {  	s10 =	sand.u32 $0x300, s29;
	s30 =	sand.u32 $0x1800, s9;
	v4 =	vmax.f32 v29, v31;
	(xrf1) =	vsort.ascd.msk.f32 $0xffff, v0, v0;
	v2, _, _ =	vpop (xrf1);
	v1 =	vmax.f32 v1, v3  }
0xf2: {  	s12 =	sor.u32 s10, s30;
	(xrf1) =	vsort.dscd.msk.f32 $0xffff, v4, v4;
	v0, _, _ =	vpop (xrf1)  }
0xf3: {  	v45 =	vld [tilespmem:s12+$0x0];
	(xrf1) =	vsort.dscd.msk.f32 $0xffff, v1, v1;
	v3, _, _ =	vpop (xrf1);
	v0 =	vmin.f32 v2, v0  }
0xf4: {  	v46 =	vld [tilespmem:s12+$0x10];
	v1, _, _ =	vpop (xrf1);
	(xrf1) =	vsort.dscd.msk.f32 $0xffff, v0, v0  }
0xf5: {  	v44 =	vld [tilespmem:s12+$0x20];
	v47, _, _ =	vpop (xrf2);
	v0 =	vmin.f32 v3, v1  }
0xf6: {  	v43 =	vld [tilespmem:s12+$0x30];
	v28, _, _ =	vpop (xrf2)  }
0xf7: {  	v42 =	vld [tilespmem:s12+$0x40];
	v48, _, _ =	vpop (xrf2);
	(xrf1) =	vsort.ascd.msk.f32 $0xffff, v0, v0  }
0xf8: {  	v41 =	vld [tilespmem:s12+$0x50];
	(xrf1) =	vsort.ascd.msk.f32 $0xffff, v45, v45;
	v0, _, _ =	vpop (xrf2)  }
0xf9: {  	v40 =	vld [tilespmem:s12+$0x60];
	(xrf1) =	vsort.dscd.msk.f32 $0xffff, v46, v46;
	[tilespmem:$0x1FFE0] =	vst v0  }
0xfa: {  	(xrf1) =	vsort.ascd.msk.f32 $0xffff, v44, v44;
	v39 =	vld [tilespmem:s12+$0x70]  }
0xfb: {  	v38 =	vld [tilespmem:s12+$0x400];
	(xrf1) =	vsort.dscd.msk.f32 $0xffff, v43, v43  }
0xfc: {  	v37 =	vld [tilespmem:s12+$0x410];
	(xrf1) =	vsort.ascd.msk.f32 $0xffff, v42, v42;
	v21, _, _ =	vpop (xrf1)  }
0xfd: {  	v36 =	vld [tilespmem:s12+$0x420];
	(xrf1) =	vsort.dscd.msk.f32 $0xffff, v41, v41;
	v22, _, _ =	vpop (xrf1)  }
0xfe: {  	v35 =	vld [tilespmem:s12+$0x430];
	(xrf1) =	vsort.ascd.msk.f32 $0xffff, v40, v40;
	v2, _, _ =	vpop (xrf1)  }
0xff: {  	v34 =	vld [tilespmem:s12+$0x440];
	v4, _, _ =	vpop (xrf1);
	(xrf1) =	vsort.dscd.msk.f32 $0xffff, v39, v39  }
0x100: {  	s31 =	simm.s32 $0x280;
	v33 =	vld [tilespmem:s12+$0x450];
	v23, _, _ =	vpop (xrf1);
	(xrf1) =	vsort.ascd.msk.f32 $0xffff, v38, v38  }
0x101: {  	s10 =	sand.u32 $0x380, s31;
	v32 =	vld [tilespmem:s12+$0x460];
	v7, _, _ =	vpop (xrf1);
	(xrf1) =	vsort.dscd.msk.f32 $0xffff, v37, v37  }
0x102: {  	s10 =	sor.u32 s10, s30;
	v31 =	vld [tilespmem:s12+$0x470];
	(xrf1) =	vsort.ascd.msk.f32 $0xffff, v36, v36;
	v0, _, _ =	vpop (xrf1)  }
0x103: {  	v3 =	vld [tilespmem:s10+$0x0];
	(xrf1) =	vsort.dscd.msk.f32 $0xffff, v35, v35;
	[tilespmem:$0x1FFF0] =	vst v0  }
0x104: {  	v62 =	vmul.f32 v18, v18;
	v61 =	vmul.f32 v16, v16;
	v5 =	vld [tilespmem:s10+$0x10];
	(xrf1) =	vsort.ascd.msk.f32 $0xffff, v34, v34  }
0x105: {  	v50 =	vld [tilespmem:s10+$0x20];
	(xrf1) =	vsort.dscd.msk.f32 $0xffff, v33, v33  }
0x106: {  	v17 =	vmul.f32 v17, v17;
	v14 =	vadd.f32 v62, v61;
	v6, _, _ =	vpop (xrf1);
	v51 =	vld [tilespmem:s10+$0x30];
	(xrf1) =	vsort.ascd.msk.f32 $0xffff, v32, v32  }
0x107: {  	v52 =	vld [tilespmem:s10+$0x40];
	v18, _, _ =	vpop (xrf1);
	(xrf1) =	vsort.dscd.msk.f32 $0xffff, v31, v31  }
0x108: {  	v63 =	vmul.f32 v15, v15;
	v14 =	vadd.f32 v17, v14;
	v16 =	vld [tilespmem:s10+$0x50];
	v49, _, _ =	vpop (xrf1);
	(xrf1) =	vsort.ascd.msk.f32 $0xffff, v3, v3  }
0x109: {  	v17 =	vld [tilespmem:s10+$0x60];
	v53, _, _ =	vpop (xrf1);
	(xrf1) =	vsort.dscd.msk.f32 $0xffff, v5, v5  }
0x10a: {  	v11 =	vmul.f32 v11, v11;
	v14 =	vadd.f32 v63, v14;
	v15 =	vld [tilespmem:s10+$0x70];
	v55, _, _ =	vpop (xrf1);
	(xrf1) =	vsort.ascd.msk.f32 $0xffff, v50, v50  }
0x10b: {  	v56, _, _ =	vpop (xrf1);
	(xrf1) =	vsort.dscd.msk.f32 $0xffff, v51, v51  }
0x10c: {  	v12 =	vmul.f32 v12, v12;
	v11 =	vadd.f32 v11, v14;
	v54, _, _ =	vpop (xrf1);
	(xrf1) =	vsort.ascd.msk.f32 $0xffff, v52, v52  }
0x10d: {  	v57, _, _ =	vpop (xrf1);
	(xrf1) =	vsort.dscd.msk.f32 $0xffff, v16, v16  }
0x10e: {  	v11 =	vadd.f32 v12, v11;
	v12 =	vmax.f32 v18, v49;
	v14, _, _ =	vpop (xrf1);
	(xrf1) =	vsort.ascd.msk.f32 $0xffff, v17, v17  }
0x10f: {  	v58 =	vmul.f32 v60, v60;
	v61 =	vmax.f32 v53, v55;
	v59, _, _ =	vpop (xrf1);
	(xrf1) =	vsort.dscd.msk.f32 $0xffff, v15, v15  }
0x110: {  	v60, _, _ =	vpop (xrf1);
	(xrf1) =	vsort.ascd.msk.f32 $0xffff, v12, v12  }
0x111: {  	v11 =	vadd.f32 v58, v11;
	v58 =	vmax.f32 v56, v54;
	v12, _, _ =	vpop (xrf1);
	(xrf1) =	vsort.dscd.msk.f32 $0xffff, v61, v61  }
0x112: {  	v10 =	vmul.f32 v10, v10;
	v61, _, _ =	vpop (xrf1);
	(xrf1) =	vsort.ascd.msk.f32 $0xffff, v58, v58;
	v58 =	vmax.f32 v57, v14;
	_ =	sdelay $0x1  }
0x113: {  	v10 =	vadd.f32 v10, v11;
	v11 =	vmax.f32 v59, v60;
	v62, _, _ =	vpop (xrf1);
	(xrf1) =	vsort.dscd.msk.f32 $0xffff, v58, v58  }
0x114: {  	(xrf1) =	vsort.ascd.msk.f32 $0xffff, v11, v11;
	v11 =	vmul.f32 v27, v27;
	v27 =	vmax.f32 v12, v61;
	v58, _, _ =	vpop (xrf1)  }
0x115: {  	v18 =	vmin.f32 v18, v49;
	v49 =	vld [tilespmem:$0x1FFD0];
	(xrf1) =	vsort.dscd.msk.f32 $0xffff, v27, v27;
	v63, _, _ =	vpop (xrf1);
	v27 =	vmax.f32 v62, v58  }
0x116: {  	v0, _, _ =	vpop (xrf1);
	(xrf1) =	vsort.ascd.msk.f32 $0xffff, v27, v27;
	v27 =	vld [tilespmem:$0x1FFC0]  }
0x117: {  	v29, _, _ =	vpop (xrf2);
	v10 =	vadd.f32 v11, v10;
	v11 =	vmax.f32 v63, v0  }
0x118: {  	v25, _, _ =	vpop (xrf2);
	(xrf1) =	vsort.dscd.msk.f32 $0xffff, v11, v11;
	v11 =	vmul.f32 v26, v26  }
0x119: {  	v53 =	vmin.f32 v53, v55;
	v14 =	vmin.f32 v57, v14;
	v1, _, _ =	vpop (xrf1);
	(xrf1) =	vsort.dscd.msk.f32 $0xffff, v18, v18  }
0x11a: {  	v26, _, _ =	vpop (xrf1);
	v10 =	vadd.f32 v11, v10;
	v11 =	vmin.f32 v56, v54;
	(xrf1) =	vsort.ascd.msk.f32 $0xffff, v53, v53  }
0x11b: {  	v18 =	vmul.f32 v20, v20;
	v27 =	vmin.f32 v27, v49;
	v49, _, _ =	vpop (xrf1);
	(xrf1) =	vsort.dscd.msk.f32 $0xffff, v11, v11  }
0x11c: {  	v3 =	vmul.f32 v3, v3;
	v55, _, _ =	vpop (xrf1);
	(xrf1) =	vsort.ascd.msk.f32 $0xffff, v14, v14  }
0x11d: {  	v59 =	vmin.f32 v59, v60;
	v20 =	vld [tilespmem:s10+$0x400];
	v11 =	vmul.f32 v24, v24;
	v10 =	vadd.f32 v18, v10;
	(xrf2) =	vadd.scan.msk.f32 $0xffff, v27;
	v53, _, _ =	vpop (xrf1)  }
0x11e: {  	v60 =	vmul.f32 v19, v19;
	v12 =	vmin.f32 v12, v61;
	v18 =	vld [tilespmem:s10+$0x410];
	(xrf1) =	vsort.dscd.msk.f32 $0xffff, v59, v59;
	v54, _, _ =	vpop (xrf1)  }
0x11f: {  	v61 =	vmin.f32 v62, v58;
	v14 =	vld [tilespmem:s10+$0x420];
	(xrf1) =	vsort.ascd.msk.f32 $0xffff, v12, v12;
	v10 =	vadd.f32 v11, v10;
	v24, _, _ =	vpop (xrf1)  }
0x120: {  	v5 =	vmul.f32 v5, v5;
	v0 =	vmin.f32 v63, v0;
	v11 =	vld [tilespmem:s10+$0x430];
	(xrf1) =	vsort.dscd.msk.f32 $0xffff, v61, v61;
	v19, _, _ =	vpop (xrf1)  }
0x121: {  	v12 =	vld [tilespmem:s10+$0x440];
	(xrf1) =	vsort.ascd.msk.f32 $0xffff, v0, v0;
	v0 =	vmul.f32 v13, v13;
	v62 =	vadd.f32 v60, v10;
	v58, _, _ =	vpop (xrf1)  }
0x122: {  	v9 =	vmul.f32 v9, v9;
	v50 =	vmul.f32 v50, v50;
	v10 =	vld [tilespmem:s10+$0x450];
	(xrf1) =	vsort.ascd.msk.f32 $0xffff, v20, v20;
	v57, _, _ =	vpop (xrf1)  }
0x123: {  	v3 =	vadd.f32 v5, v3;
	v5 =	vld [tilespmem:s10+$0x460];
	v0 =	vadd.f32 v0, v62;
	(xrf1) =	vsort.dscd.msk.f32 $0xffff, v18, v18;
	v27, _, _ =	vpop (xrf1)  }
0x124: {  	v8 =	vmul.f32 v8, v8;
	(xrf1) =	vsort.ascd.msk.f32 $0xffff, v14, v14;
	v56, _, _ =	vpop (xrf1)  }
0x125: {  	v48 =	vbroadcast v48, $0xF;
	v50 =	vadd.f32 v50, v3;
	v3 =	vld [tilespmem:s10+$0x470];
	v0 =	vadd.f32 v9, v0;
	v13, _, _ =	vpop (xrf1);
	(xrf1) =	vsort.dscd.msk.f32 $0xffff, v11, v11  }
0x126: {  	v47 =	vbroadcast v47, $0xF;
	v51 =	vmul.f32 v51, v51;
	v59, _, _ =	vpop (xrf1);
	(xrf1) =	vsort.ascd.msk.f32 $0xffff, v12, v12  }
0x127: {  	v63 =	vmul.f32 v52, v52;
	v0 =	vadd.f32 v8, v0;
	v60, _, _ =	vpop (xrf1);
	(xrf1) =	vsort.dscd.msk.f32 $0xffff, v10, v10  }
0x128: {  	v9 =	vnsel vm0, $0x0, v47;
	v61, _, _ =	vpop (xrf1);
	(xrf1) =	vsort.ascd.msk.f32 $0xffff, v5, v5  }
0x129: {  	v45 =	vmul.f32 v45, v45;
	v50 =	vadd.f32 v51, v50;
	v9 =	vsel vm1, v9, v48;
	(xrf2) =	vadd.scan.msk.f32 $0xffff, v0;
	v48, _, _ =	vpop (xrf1)  }
0x12a: {  	v46 =	vmul.f32 v46, v46;
	v62 =	vmax.f32 v58, v57;
	(xrf1) =	vsort.dscd.msk.f32 $0xffff, v3, v3;
	v8, _, _ =	vpop (xrf1)  }
0x12b: {  	v47 =	vadd.f32 v63, v50;
	v27 =	vmax.f32 v27, v56;
	(xrf1) =	vsort.ascd.msk.f32 $0xffff, v62, v62;
	v63, _, _ =	vpop (xrf1)  }
0x12c: {  	v43 =	vmul.f32 v43, v43;
	v13 =	vmax.f32 v13, v59;
	(xrf1) =	vsort.dscd.msk.f32 $0xffff, v27, v27;
	v56, _, _ =	vpop (xrf1)  }
0x12d: {  	v59 =	vmul.f32 v44, v44;
	v57 =	vmax.f32 v60, v61;
	(xrf1) =	vsort.ascd.msk.f32 $0xffff, v13, v13;
	v58, _, _ =	vpop (xrf1)  }
0x12e: {  	v60 =	vadd.f32 v46, v45;
	v8 =	vmin.f32 v48, v8;
	(xrf1) =	vsort.dscd.msk.f32 $0xffff, v57, v57;
	v61, _, _ =	vpop (xrf1)  }
0x12f: {  	v42 =	vmul.f32 v42, v42;
	v62 =	vmin.f32 v63, v56;
	(xrf1) =	vsort.dscd.msk.f32 $0xffff, v8, v8;
	v63, _, _ =	vpop (xrf1)  }
0x130: {  	v13 =	vadd.f32 v59, v60;
	v45 =	vmin.f32 v58, v61;
	(xrf1) =	vsort.ascd.msk.f32 $0xffff, v62, v62;
	v48, _, _ =	vpop (xrf1)  }
0x131: {  	v41 =	vmul.f32 v41, v41;
	(xrf1) =	vsort.dscd.msk.f32 $0xffff, v45, v45;
	v50 =	vmin.f32 v63, v48;
	v44, _, _ =	vpop (xrf1)  }
0x132: {  	v51 =	vmin.f32 v1, v26;
	v13 =	vadd.f32 v43, v13;
	(xrf1) =	vsort.ascd.msk.f32 $0xffff, v50, v50;
	v27, _, _ =	vpop (xrf1)  }
0x133: {  	v52 =	vmin.f32 v49, v55;
	v46, _, _ =	vpop (xrf1);
	(xrf1) =	vsort.dscd.msk.f32 $0xffff, v51, v51  }
0x134: {  	v56 =	vmin.f32 v53, v54;
	v13 =	vadd.f32 v42, v13;
	(xrf1) =	vsort.ascd.msk.f32 $0xffff, v52, v52;
	v45, _, _ =	vpop (xrf1)  }
0x135: {  	v40 =	vmul.f32 v40, v40;
	v57 =	vmin.f32 v24, v19;
	(xrf1) =	vsort.dscd.msk.f32 $0xffff, v56, v56;
	v42, _, _ =	vpop (xrf1)  }
0x136: {  	v13 =	vadd.f32 v41, v13;
	v58 =	vmin.f32 v44, v27;
	v41, _, _ =	vpop (xrf1);
	(xrf1) =	vsort.ascd.msk.f32 $0xffff, v57, v57  }
0x137: {  	v1 =	vmax.f32 v1, v26;
	v59 =	vmin.f32 v46, v45;
	(xrf1) =	vsort.dscd.msk.f32 $0xffff, v58, v58;
	v26, _, _ =	vpop (xrf1)  }
0x138: {  	v39 =	vmul.f32 v39, v39;
	v60 =	vmin.f32 v42, v41;
	(xrf1) =	vsort.ascd.msk.f32 $0xffff, v59, v59;
	v43, _, _ =	vpop (xrf1)  }
0x139: {  	v30, _, _ =	vpop (xrf2);
	v13 =	vadd.f32 v40, v13;
	v62 =	vmin.f32 v26, v43;
	(xrf1) =	vsort.dscd.msk.f32 $0xffff, v60, v60  }
0x13a: {  	v38 =	vmul.f32 v38, v38;
	v63, _, _ =	vpop (xrf1);
	(xrf1) =	vsort.ascd.msk.f32 $0xffff, v62, v62  }
0x13b: {  	v61 =	vmax.f32 v49, v55;
	v13 =	vadd.f32 v39, v13;
	v52, _, _ =	vpop (xrf1);
	(xrf1) =	vsort.ascd.msk.f32 $0xffff, v1, v1  }
0x13c: {  	v37 =	vmul.f32 v37, v37;
	v54 =	vmax.f32 v53, v54;
	v1, _, _ =	vpop (xrf1);
	(xrf1) =	vsort.dscd.msk.f32 $0xffff, v61, v61  }
0x13d: {  	v13 =	vadd.f32 v38, v13;
	v56 =	vmax.f32 v63, v52;
	v55, _, _ =	vpop (xrf1);
	(xrf1) =	vsort.ascd.msk.f32 $0xffff, v54, v54  }
0x13e: {  	v16 =	vmul.f32 v16, v16;
	v57, _, _ =	vpop (xrf1);
	v1 =	vmax.f32 v1, v55;
	(xrf1) =	vsort.ascd.msk.f32 $0xffff, v56, v56  }
0x13f: {  	v0 =	vmul.f32 v36, v36;
	v58, _, _ =	vpop (xrf1);
	(xrf1) =	vsort.dscd.msk.f32 $0xffff, v1, v1;
	v1 =	vadd.f32 v37, v13  }
0x140: {  	v17 =	vmul.f32 v17, v17;
	v16 =	vadd.f32 v16, v47;
	v59, _, _ =	vpop (xrf1)  }
0x141: {  	v60 =	vmin.f32 v57, v58;
	v61, _, _ =	vpop (xrf1);
	v0 =	vadd.f32 v0, v1;
	v1 =	vmul.f32 v35, v35  }
0x142: {  	v15 =	vmul.f32 v15, v15;
	v16 =	vadd.f32 v17, v16;
	(xrf1) =	vsort.dscd.msk.f32 $0xffff, v60, v60;
	v62, _, _ =	vpop (xrf1)  }
0x143: {  	v17 =	vmin.f32 v59, v61;
	v63, _, _ =	vpop (xrf1);
	v0 =	vadd.f32 v1, v0;
	v1 =	vmul.f32 v34, v34  }
0x144: {  	v19 =	vmax.f32 v24, v19;
	v36 =	vmax.f32 v44, v27;
	(xrf1) =	vsort.ascd.msk.f32 $0xffff, v17, v17;
	v38, _, _ =	vpop (xrf1)  }
0x145: {  	(xrf1) =	vsort.dscd.msk.f32 $0xffff, v19, v19;
	v39, _, _ =	vpop (xrf1);
	v0 =	vadd.f32 v1, v0;
	v1 =	vmul.f32 v33, v33  }
0x146: {  	v40 =	vmax.f32 v42, v41;
	v37 =	vmax.f32 v46, v45;
	(xrf1) =	vsort.ascd.msk.f32 $0xffff, v36, v36;
	v41, _, _ =	vpop (xrf1)  }
0x147: {  	(xrf1) =	vsort.dscd.msk.f32 $0xffff, v37, v37;
	v42, _, _ =	vpop (xrf1);
	v0 =	vadd.f32 v1, v0;
	v1 =	vmul.f32 v32, v32  }
0x148: {  	v20 =	vmul.f32 v20, v20;
	v15 =	vadd.f32 v15, v16;
	v26 =	vmax.f32 v26, v43;
	v44, _, _ =	vpop (xrf1)  }
0x149: {  	(xrf1) =	vsort.ascd.msk.f32 $0xffff, v40, v40;
	v45, _, _ =	vpop (xrf1);
	v0 =	vadd.f32 v1, v0;
	v1 =	vmul.f32 v31, v31  }
0x14a: {  	v18 =	vmul.f32 v18, v18;
	v13 =	vmin.f32 v62, v63;
	(xrf1) =	vsort.dscd.msk.f32 $0xffff, v26, v26;
	v47, _, _ =	vpop (xrf1)  }
0x14b: {  	v15 =	vadd.f32 v20, v15;
	v43 =	vmin.f32 v38, v39;
	(xrf1) =	vsort.dscd.msk.f32 $0xffff, v13, v13;
	v49, _, _ =	vpop (xrf1)  }
0x14c: {  	(xrf1) =	vsort.ascd.msk.f32 $0xffff, v43, v43;
	v51, _, _ =	vpop (xrf1)  }
0x14d: {  	v14 =	vmul.f32 v14, v14;
	v15 =	vadd.f32 v18, v15;
	v0 =	vadd.f32 v1, v0;
	v1, _, _ =	vpop (xrf1)  }
0x14e: {  	v52, _, _ =	vpop (xrf1)  }
0x14f: {  	v8, _, _ =	vpop (xrf2);
	(xrf2) =	vadd.scan.msk.f32 $0xffff, v0;
	v0 =	vmax.f32 v1, v52;
	v1 =	vmul.f32 v11, v11;
	v11 =	vadd.f32 v14, v15  }
0x150: {  	v54, _, _ =	vpop (xrf2);
	v55 =	vmin.f32 v41, v42  }
0x151: {  	(xrf1) =	vsort.dscd.msk.f32 $0xffff, v55, v55;
	v56, _, _ =	vpop (xrf1);
	v1 =	vadd.f32 v1, v11;
	v11 =	vmax.f32 v47, v49  }
0x152: {  	v57 =	vmin.f32 v44, v45;
	(xrf2) =	vadd.scan.msk.f32 $0xffff, v0;
	v0 =	vmul.f32 v12, v12;
	v58, _, _ =	vpop (xrf1)  }
0x153: {  	v4 =	vmax.f32 v4, v7;
	v10 =	vmul.f32 v10, v10;
	v60 =	vld [tilespmem:$0x1FFE0];
	(xrf1) =	vsort.ascd.msk.f32 $0xffff, v57, v57;
	v59, _, _ =	vpop (xrf1)  }
0x154: {  	v25 =	vbroadcast v25, $0xF;
	(xrf1) =	vsort.ascd.msk.f32 $0xffff, v11, v11;
	v0 =	vadd.f32 v0, v1;
	v1 =	vmax.f32 v51, v59;
	v11, _, _ =	vpop (xrf1)  }
0x155: {  	v48 =	vbroadcast v29, $0xF;
	v50 =	vbroadcast v30, $0xF;
	v14 =	vmin.f32 v56, v58;
	v62, _, _ =	vpop (xrf1)  }
0x156: {  	v46 =	vbroadcast v28, $0xF;
	(xrf2) =	vadd.scan.msk.f32 $0xffff, v14;
	v0 =	vadd.f32 v10, v0;
	v10 =	vmax.f32 v11, v62  }
0x157: {  	v5 =	vmul.f32 v5, v5;
	v61 =	vmax.f32 v21, v22;
	v17 =	vnsel vm0, $0x0, v48;
	(xrf1) =	vsort.dscd.msk.f32 $0xffff, v1, v1;
	v1, _, _ =	vpop (xrf1)  }
0x158: {  	s10 =	simm.s32 $0x2080;
	v9 =	vsel vm2, v9, v46;
	v17 =	vsel vm1, v17, v50;
	v16 =	vbroadcast v60, $0xF;
	(xrf1) =	vsort.ascd.msk.f32 $0xffff, v61, v61;
	v11, _, _ =	vpop (xrf1)  }
0x159: {  	s11 =	simm.s32 $0x2180;
	v7 =	vbroadcast v8, $0xF;
	[tilespmem:s10+$0xFFFFFF80] =	vst v9;
	v53 =	vsel vm2, v17, v25;
	(xrf1) =	vsort.ascd.msk.f32 $0xffff, v10, v10;
	v10, _, _ =	vpop (xrf1)  }
0x15a: {  	[tilespmem:s11+$0xFFFFFF80] =	vst v53;
	v9 =	vnsel vm0, $0x0, v16;
	(xrf1) =	vsort.dscd.msk.f32 $0xffff, v4, v4;
	v4, _, _ =	vpop (xrf1)  }
0x15b: {  	v5 =	vadd.f32 v5, v0;
	v0 =	vsel vm1, v9, v7;
	v7 =	vmin.f32 v10, v4;
	v4 =	vld [tilespmem:$0x1FFF0]  }
0x15c: {  	v1 =	vmax.f32 v1, v11  }
0x15d: {  	(xrf1) =	vsort.dscd.msk.f32 $0xffff, v1, v1  }
0x15e: {  	v8 =	vmul.f32 v3, v3;
	v63 =	vbroadcast v54, $0xF  }
0x15f: {  	v2 =	vmax.f32 v2, v23;
	v3, _, _ =	vpop (xrf2)  }
0x160: {  	s13 =	simm.s32 $0x4;
	s14 =	simm.s32 $0x380;
	s12 =	simm.s32 $0x2180;
	v1 =	vnsel vm0, $0x0, v63;
	v11 =	vadd.f32 v8, v5;
	v5, _, _ =	vpop (xrf2);
	(xrf1) =	vsort.dscd.msk.f32 $0xffff, v7, v7;
	v4 =	vmin.f32 v4, v6  }
.LBB2_2:
0x161: {  	s15 =	sadd.s32 $0xFFFFFF80, s14;
	s17 =	sand.u32 $0x380, s14;
	s9 =	sadd.s32 $0x200, s9;
	v6, _, _ =	vpop (xrf1)  }
0x162: {  	v3 =	vbroadcast v3, $0xF;
	s18 =	sand.u32 $0x1800, s9;
	s15 =	sand.u32 $0x300, s15;
	v7, _, _ =	vpop (xrf2);
	(xrf2) =	vadd.scan.msk.f32 $0xffff, v4  }
0x163: {  	s16 =	sor.u32 s15, s18;
	s15 =	sor.u32 s17, s18;
	v4 =	vbroadcast v7, $0xF  }
0x164: {  	v5 =	vbroadcast v5, $0xF;
	v3 =	vnsel vm0, $0x0, v3;
	v19 =	vld [tilespmem:s16+$0x0];
	v7, _, _ =	vpop (xrf1)  }
0x165: {  	v20 =	vld [tilespmem:s16+$0x10];
	v8 =	vsel vm1, v3, v4;
	v4 =	vmin.f32 v6, v7;
	v6, _, _ =	vpop (xrf1);
	(xrf2) =	vadd.scan.msk.f32 $0xffff, v11  }
0x166: {  	s11 =	sadd.s32 $0x100, s11;
	v21 =	vld [tilespmem:s16+$0x20];
	v5 =	vsel vm2, v8, v5;
	(xrf1) =	vsort.ascd.msk.f32 $0xffff, v4, v4  }
0x167: {  	v18 =	vld [tilespmem:s16+$0x30];
	[tilespmem:s11+$0xFFFFFF80] =	vst v5;
	v3, _, _ =	vpop (xrf1)  }
0x168: {  	v17 =	vld [tilespmem:s16+$0x40];
	v3 =	vmax.f32 v6, v3;
	v4, _, _ =	vpop (xrf1);
	(xrf2) =	vadd.scan.msk.f32 $0xffff, v2  }
0x169: {  	v16 =	vld [tilespmem:s16+$0x50];
	(xrf1) =	vsort.ascd.msk.f32 $0xffff, v19, v19;
	v5, _, _ =	vpop (xrf1)  }
0x16a: {  	v15 =	vld [tilespmem:s16+$0x60];
	(xrf1) =	vsort.dscd.msk.f32 $0xffff, v20, v20;
	v2, _, _ =	vpop (xrf1)  }
0x16b: {  	v14 =	vld [tilespmem:s16+$0x70];
	(xrf1) =	vsort.ascd.msk.f32 $0xffff, v21, v21;
	v6, _, _ =	vpop (xrf1);
	v2 =	vmax.f32 v4, v2  }
0x16c: {  	v13 =	vld [tilespmem:s16+$0x400];
	(xrf1) =	vsort.dscd.msk.f32 $0xffff, v18, v18;
	v5 =	vmax.f32 v5, v6;
	v4, _, _ =	vpop (xrf2)  }
0x16d: {  	v11 =	vld [tilespmem:s16+$0x410];
	(xrf1) =	vsort.ascd.msk.f32 $0xffff, v17, v17;
	v4 =	vbroadcast v4, $0xF  }
0x16e: {  	v12 =	vld [tilespmem:s16+$0x420];
	(xrf1) =	vsort.dscd.msk.f32 $0xffff, v16, v16;
	v22, _, _ =	vpop (xrf1)  }
0x16f: {  	v10 =	vld [tilespmem:s16+$0x430];
	(xrf1) =	vsort.ascd.msk.f32 $0xffff, v15, v15;
	v6, _, _ =	vpop (xrf2);
	v23 =	vsel vm1, v1, v4  }
0x170: {  	v9 =	vld [tilespmem:s16+$0x440];
	(xrf1) =	vsort.dscd.msk.f32 $0xffff, v14, v14;
	v1 =	vbroadcast v6, $0xF  }
0x171: {  	v8 =	vld [tilespmem:s16+$0x450];
	(xrf1) =	vsort.ascd.msk.f32 $0xffff, v13, v13  }
0x172: {  	v7 =	vld [tilespmem:s16+$0x460];
	(xrf1) =	vsort.dscd.msk.f32 $0xffff, v11, v11;
	v1 =	vnsel vm0, $0x0, v1;
	v4, _, _ =	vpop (xrf2)  }
0x173: {  	v6 =	vld [tilespmem:s16+$0x470];
	(xrf1) =	vsort.ascd.msk.f32 $0xffff, v12, v12;
	v24 =	vbroadcast v4, $0xF  }
0x174: {  	v25 =	vld [tilespmem:s15+$0x0];
	(xrf1) =	vsort.dscd.msk.f32 $0xffff, v10, v10;
	v4, _, _ =	vpop (xrf1)  }
0x175: {  	v26 =	vld [tilespmem:s15+$0x10];
	(xrf1) =	vsort.ascd.msk.f32 $0xffff, v9, v9;
	v4 =	vmin.f32 v22, v4;
	v22 =	vsel vm2, v0, v24;
	v0 =	vmov v23  }
0x176: {  	v23 =	vld [tilespmem:s15+$0x20];
	(xrf1) =	vsort.dscd.msk.f32 $0xffff, v8, v8;
	[tilespmem:s10+$0x0] =	vst v22;
	s10 =	smov.u32 s12;
	s12 =	smov.u32 s11  }
0x177: {  	v22 =	vld [tilespmem:s15+$0x30];
	v24, _, _ =	vpop (xrf1);
	(xrf1) =	vsort.ascd.msk.f32 $0xffff, v7, v7  }
0x178: {  	s13 =	sadd.s32 $0x2, s13;
	v27 =	vld [tilespmem:s15+$0x40];
	v28, _, _ =	vpop (xrf1);
	(xrf1) =	vsort.dscd.msk.f32 $0xffff, v6, v6  }
0x179: {  	p0 =	slt.u32 s13, $0x1E;
	v29 =	vld [tilespmem:s15+$0x50];
	v30 =	vmul.f32 v25, v25;
	v31, _, _ =	vpop (xrf1);
	(xrf1) =	vsort.ascd.msk.f32 $0xffff, v25, v25  }
0x17a: {  	v25 =	vld [tilespmem:s15+$0x60];
	v37 =	vmul.f32 v26, v26;
	v33, _, _ =	vpop (xrf1);
	(xrf1) =	vsort.dscd.msk.f32 $0xffff, v26, v26  }
0x17b: {  	v26 =	vld [tilespmem:s15+$0x70];
	v34 =	vmul.f32 v23, v23;
	v35, _, _ =	vpop (xrf1);
	(xrf1) =	vsort.ascd.msk.f32 $0xffff, v23, v23  }
0x17c: {  	v36 =	vld [tilespmem:s15+$0x400];
	v23 =	vadd.f32 v37, v30;
	v30 =	vmul.f32 v22, v22;
	v32, _, _ =	vpop (xrf1);
	(xrf1) =	vsort.dscd.msk.f32 $0xffff, v22, v22  }
0x17d: {  	v37 =	vld [tilespmem:s15+$0x410];
	v22 =	vmul.f32 v27, v27;
	v38, _, _ =	vpop (xrf1);
	(xrf1) =	vsort.ascd.msk.f32 $0xffff, v27, v27  }
0x17e: {  	v27 =	vld [tilespmem:s15+$0x420];
	v23 =	vadd.f32 v34, v23;
	v34 =	vmul.f32 v29, v29;
	v39, _, _ =	vpop (xrf1);
	(xrf1) =	vsort.dscd.msk.f32 $0xffff, v29, v29  }
0x17f: {  	v29 =	vld [tilespmem:s15+$0x430];
	v40 =	vmul.f32 v25, v25;
	v41, _, _ =	vpop (xrf1);
	(xrf1) =	vsort.ascd.msk.f32 $0xffff, v25, v25  }
0x180: {  	v25 =	vmax.f32 v24, v28;
	v42 =	vld [tilespmem:s15+$0x440];
	v23 =	vadd.f32 v30, v23;
	v30, _, _ =	vpop (xrf1);
	(xrf1) =	vsort.dscd.msk.f32 $0xffff, v26, v26  }
0x181: {  	v43 =	vmax.f32 v31, v33;
	v26 =	vmul.f32 v26, v26;
	v44 =	vld [tilespmem:s15+$0x450];
	v45, _, _ =	vpop (xrf1);
	(xrf1) =	vsort.ascd.msk.f32 $0xffff, v25, v25  }
0x182: {  	v25 =	vmax.f32 v35, v32;
	v46 =	vld [tilespmem:s15+$0x460];
	v22 =	vadd.f32 v22, v23;
	v47, _, _ =	vpop (xrf1);
	(xrf1) =	vsort.dscd.msk.f32 $0xffff, v43, v43  }
0x183: {  	v48 =	vmul.f32 v36, v36;
	v23 =	vmax.f32 v38, v39;
	v43 =	vld [tilespmem:s15+$0x470];
	v49, _, _ =	vpop (xrf1);
	(xrf1) =	vsort.ascd.msk.f32 $0xffff, v25, v25  }
0x184: {  	v25 =	vmax.f32 v41, v30;
	v22 =	vadd.f32 v34, v22;
	v34, _, _ =	vpop (xrf1);
	(xrf1) =	vsort.dscd.msk.f32 $0xffff, v23, v23  }
0x185: {  	v50 =	vmul.f32 v37, v37;
	v23 =	vmax.f32 v45, v47;
	v51, _, _ =	vpop (xrf1);
	(xrf1) =	vsort.ascd.msk.f32 $0xffff, v25, v25  }
0x186: {  	v53 =	vmax.f32 v49, v34;
	v22 =	vadd.f32 v40, v22;
	v40, _, _ =	vpop (xrf1);
	(xrf1) =	vsort.dscd.msk.f32 $0xffff, v23, v23  }
0x187: {  	v52 =	vmul.f32 v27, v27;
	v54 =	vmax.f32 v51, v40;
	(xrf1) =	vsort.ascd.msk.f32 $0xffff, v53, v53;
	v25, _, _ =	vpop (xrf1)  }
0x188: {  	v53 =	vmin.f32 v24, v28;
	v22 =	vadd.f32 v26, v22;
	(xrf1) =	vsort.dscd.msk.f32 $0xffff, v54, v54;
	v23, _, _ =	vpop (xrf1)  }
0x189: {  	v26 =	vmin.f32 v31, v33;
	v28 =	vmin.f32 v25, v23;
	(xrf1) =	vsort.dscd.msk.f32 $0xffff, v53, v53;
	v24, _, _ =	vpop (xrf1)  }
0x18a: {  	v33 =	vmin.f32 v35, v32;
	v23 =	vmax.f32 v25, v23;
	(xrf1) =	vsort.ascd.msk.f32 $0xffff, v26, v26;
	v25, _, _ =	vpop (xrf1)  }
0x18b: {  	v26 =	vmin.f32 v38, v39;
	v32 =	vmin.f32 v24, v25;
	(xrf1) =	vsort.dscd.msk.f32 $0xffff, v33, v33;
	v31, _, _ =	vpop (xrf1)  }
0x18c: {  	v35 =	vmin.f32 v41, v30;
	v24 =	vmax.f32 v24, v25;
	(xrf1) =	vsort.ascd.msk.f32 $0xffff, v26, v26;
	v25, _, _ =	vpop (xrf1)  }
0x18d: {  	v39 =	vmin.f32 v45, v47;
	v33 =	vmin.f32 v31, v25;
	(xrf1) =	vsort.dscd.msk.f32 $0xffff, v35, v35;
	v30, _, _ =	vpop (xrf1)  }
0x18e: {  	v34 =	vmin.f32 v49, v34;
	v25 =	vmax.f32 v31, v25;
	(xrf1) =	vsort.ascd.msk.f32 $0xffff, v39, v39;
	v26, _, _ =	vpop (xrf1)  }
0x18f: {  	v31 =	vmin.f32 v51, v40;
	v35 =	vmin.f32 v30, v26;
	v38, _, _ =	vpop (xrf1);
	(xrf1) =	vsort.dscd.msk.f32 $0xffff, v34, v34  }
0x190: {  	v34 =	vadd.f32 v48, v22;
	v22 =	vmax.f32 v30, v26;
	v26, _, _ =	vpop (xrf1);
	(xrf1) =	vsort.ascd.msk.f32 $0xffff, v31, v31  }
0x191: {  	v30 =	vmul.f32 v29, v29;
	v31 =	vmul.f32 v42, v42;
	v39, _, _ =	vpop (xrf1);
	(xrf1) =	vsort.ascd.msk.f32 $0xffff, v36, v36  }
0x192: {  	v47 =	vadd.f32 v50, v34;
	v36 =	vmul.f32 v44, v44;
	v40, _, _ =	vpop (xrf1);
	(xrf1) =	vsort.dscd.msk.f32 $0xffff, v37, v37  }
0x193: {  	v41 =	vmul.f32 v43, v43;
	v37 =	vmul.f32 v46, v46;
	v45, _, _ =	vpop (xrf1);
	(xrf1) =	vsort.ascd.msk.f32 $0xffff, v27, v27  }
0x194: {  	v27 =	vadd.f32 v52, v47;
	v34, _, _ =	vpop (xrf1);
	(xrf1) =	vsort.dscd.msk.f32 $0xffff, v29, v29  }
0x195: {  	v29, _, _ =	vpop (xrf1);
	(xrf1) =	vsort.ascd.msk.f32 $0xffff, v42, v42  }
0x196: {  	v27 =	vadd.f32 v30, v27;
	v30, _, _ =	vpop (xrf1);
	(xrf1) =	vsort.dscd.msk.f32 $0xffff, v44, v44  }
0x197: {  	v42, _, _ =	vpop (xrf1);
	(xrf1) =	vsort.ascd.msk.f32 $0xffff, v46, v46  }
0x198: {  	v26 =	vmax.f32 v38, v26;
	v27 =	vadd.f32 v31, v27;
	v31, _, _ =	vpop (xrf1);
	(xrf1) =	vsort.dscd.msk.f32 $0xffff, v43, v43  }
0x199: {  	v19 =	vmul.f32 v19, v19;
	v38 =	vmax.f32 v39, v40;
	v39, _, _ =	vpop (xrf1);
	(xrf1) =	vsort.ascd.msk.f32 $0xffff, v26, v26  }
0x19a: {  	v20 =	vmul.f32 v20, v20;
	v40 =	vmax.f32 v45, v34;
	v34, _, _ =	vpop (xrf1);
	(xrf1) =	vsort.dscd.msk.f32 $0xffff, v38, v38  }
0x19b: {  	v29 =	vmax.f32 v29, v30;
	v38 =	vmul.f32 v21, v21;
	v30, _, _ =	vpop (xrf1);
	(xrf1) =	vsort.ascd.msk.f32 $0xffff, v40, v40  }
0x19c: {  	v19 =	vadd.f32 v20, v19;
	v20 =	vmin.f32 v42, v31;
	v26, _, _ =	vpop (xrf1);
	(xrf1) =	vsort.dscd.msk.f32 $0xffff, v29, v29  }
0x19d: {  	v18 =	vmul.f32 v18, v18;
	v29 =	vmin.f32 v39, v34;
	v31, _, _ =	vpop (xrf1);
	(xrf1) =	vsort.dscd.msk.f32 $0xffff, v20, v20  }
0x19e: {  	v34 =	vadd.f32 v38, v19;
	v30 =	vmin.f32 v30, v26;
	v21, _, _ =	vpop (xrf1);
	(xrf1) =	vsort.ascd.msk.f32 $0xffff, v29, v29  }
0x19f: {  	v26 =	vadd.f32 v36, v27;
	v21 =	vmin.f32 v31, v21;
	(xrf1) =	vsort.dscd.msk.f32 $0xffff, v30, v30;
	v20, _, _ =	vpop (xrf1)  }
0x1a0: {  	v17 =	vmul.f32 v17, v17;
	v27 =	vadd.f32 v18, v34;
	(xrf1) =	vsort.ascd.msk.f32 $0xffff, v21, v21;
	v19, _, _ =	vpop (xrf1)  }
0x1a1: {  	v21 =	vmax.f32 v20, v19;
	v19 =	vmin.f32 v20, v19;
	v20, _, _ =	vpop (xrf1);
	(xrf1) =	vsort.dscd.msk.f32 $0xffff, v28, v28  }
0x1a2: {  	v16 =	vmul.f32 v16, v16;
	v28 =	vadd.f32 v17, v27;
	v18, _, _ =	vpop (xrf1);
	(xrf1) =	vsort.ascd.msk.f32 $0xffff, v32, v32  }
0x1a3: {  	v27 =	vmax.f32 v20, v18;
	v18 =	vmin.f32 v20, v18;
	v20, _, _ =	vpop (xrf1);
	(xrf1) =	vsort.dscd.msk.f32 $0xffff, v33, v33  }
0x1a4: {  	v15 =	vmul.f32 v15, v15;
	v29 =	vadd.f32 v16, v28;
	v17, _, _ =	vpop (xrf1);
	(xrf1) =	vsort.ascd.msk.f32 $0xffff, v35, v35  }
0x1a5: {  	v28 =	vmax.f32 v20, v17;
	v17 =	vmin.f32 v20, v17;
	v20, _, _ =	vpop (xrf1);
	(xrf1) =	vsort.dscd.msk.f32 $0xffff, v19, v19  }
0x1a6: {  	v14 =	vmul.f32 v14, v14;
	v29 =	vadd.f32 v15, v29;
	v16, _, _ =	vpop (xrf1);
	(xrf1) =	vsort.ascd.msk.f32 $0xffff, v18, v18  }
0x1a7: {  	v18 =	vmax.f32 v20, v16;
	v16 =	vmin.f32 v20, v16;
	v19, _, _ =	vpop (xrf1);
	(xrf1) =	vsort.dscd.msk.f32 $0xffff, v17, v17  }
0x1a8: {  	v13 =	vmul.f32 v13, v13;
	v20 =	vadd.f32 v14, v29;
	v15, _, _ =	vpop (xrf1);
	(xrf1) =	vsort.ascd.msk.f32 $0xffff, v16, v16  }
0x1a9: {  	v16 =	vadd.f32 v37, v26;
	v17, _, _ =	vpop (xrf1);
	(xrf1) =	vsort.ascd.msk.f32 $0xffff, v23, v23  }
0x1aa: {  	v11 =	vmul.f32 v11, v11;
	v13 =	vadd.f32 v13, v20;
	v14, _, _ =	vpop (xrf1);
	(xrf1) =	vsort.dscd.msk.f32 $0xffff, v24, v24  }
0x1ab: {  	v12 =	vmul.f32 v12, v12;
	v20 =	vmax.f32 v19, v15;
	v19, _, _ =	vpop (xrf1);
	(xrf1) =	vsort.ascd.msk.f32 $0xffff, v25, v25  }
0x1ac: {  	v24 =	vadd.f32 v11, v13;
	v23 =	vmax.f32 v17, v14;
	v17, _, _ =	vpop (xrf1);
	(xrf1) =	vsort.ascd.msk.f32 $0xffff, v20, v20  }
0x1ad: {  	v11 =	vadd.f32 v41, v16;
	v15, _, _ =	vpop (xrf1);
	(xrf1) =	vsort.dscd.msk.f32 $0xffff, v23, v23  }
0x1ae: {  	v10 =	vmul.f32 v10, v10;
	v20 =	vadd.f32 v12, v24;
	v16 =	vmin.f32 v19, v17;
	v14, _, _ =	vpop (xrf1)  }
0x1af: {  	v14 =	vmin.f32 v15, v14;
	(xrf1) =	vsort.dscd.msk.f32 $0xffff, v16, v16;
	v13, _, _ =	vpop (xrf1)  }
0x1b0: {  	v9 =	vmul.f32 v9, v9;
	v15 =	vadd.f32 v10, v20;
	(xrf1) =	vsort.ascd.msk.f32 $0xffff, v14, v14;
	v12, _, _ =	vpop (xrf1)  }
0x1b1: {  	v12 =	vmin.f32 v13, v12;
	(xrf1) =	vsort.dscd.msk.f32 $0xffff, v22, v22;
	v13, _, _ =	vpop (xrf1)  }
0x1b2: {  	v8 =	vmul.f32 v8, v8;
	v14 =	vadd.f32 v9, v15;
	v10, _, _ =	vpop (xrf1);
	(xrf1) =	vsort.ascd.msk.f32 $0xffff, v21, v21  }
0x1b3: {  	v10 =	vmin.f32 v13, v10;
	(xrf1) =	vsort.dscd.msk.f32 $0xffff, v27, v27;
	v13, _, _ =	vpop (xrf1)  }
0x1b4: {  	v7 =	vmul.f32 v7, v7;
	v14 =	vadd.f32 v8, v14;
	v9, _, _ =	vpop (xrf1);
	(xrf1) =	vsort.ascd.msk.f32 $0xffff, v28, v28  }
0x1b5: {  	v9 =	vmin.f32 v13, v9;
	(xrf1) =	vsort.dscd.msk.f32 $0xffff, v18, v18;
	v13, _, _ =	vpop (xrf1)  }
0x1b6: {  	v6 =	vmul.f32 v6, v6;
	v14 =	vadd.f32 v7, v14;
	v8, _, _ =	vpop (xrf1)  }
0x1b7: {  	v8 =	vmin.f32 v13, v8;
	v13, _, _ =	vpop (xrf1);
	(xrf1) =	vsort.dscd.msk.f32 $0xffff, v12, v12  }
0x1b8: {  	v14 =	vadd.f32 v6, v14;
	v7, _, _ =	vpop (xrf1);
	(xrf1) =	vsort.ascd.msk.f32 $0xffff, v10, v10  }
0x1b9: {  	v7 =	vmax.f32 v13, v7;
	v10, _, _ =	vpop (xrf1)  }
0x1ba: {  	v12, _, _ =	vpop (xrf1);
	(xrf2) =	vadd.scan.msk.f32 $0xffff, v14  }
0x1bb: {  	v6, _, _ =	vpop (xrf1);
	(xrf1) =	vsort.dscd.msk.f32 $0xffff, v9, v9  }
0x1bc: {  	v12 =	vmax.f32 v12, v6  }
0x1bd: {  	v9, _, _ =	vpop (xrf1);
	(xrf2) =	vadd.scan.msk.f32 $0xffff, v12  }
0x1be: {  	v6, _, _ =	vpop (xrf1);
	(xrf1) =	vsort.ascd.msk.f32 $0xffff, v8, v8  }
0x1bf: {  	v9 =	vmin.f32 v9, v6;
	v8, _, _ =	vpop (xrf1);
	(xrf1) =	vsort.ascd.msk.f32 $0xffff, v7, v7  }
0x1c0: {  	v10 =	vmax.f32 v10, v8;
	(xrf2) =	vadd.scan.msk.f32 $0xffff, v9;
	v6, _, _ =	vpop (xrf1)  }
0x1c1: {  	v8, _, _ =	vpop (xrf1);
	(xrf1) =	vsort.dscd.msk.f32 $0xffff, v10, v10  }
0x1c2: {  	v6 =	vmax.f32 v6, v8;
	v7, _, _ =	vpop (xrf1);
	(xrf1) =	vsort.ascd.msk.f32 $0xffff, v3, v3  }
0x1c3: {  	v3, _, _ =	vpop (xrf1);
	(xrf1) =	vsort.ascd.msk.f32 $0xffff, v6, v6  }
.Ltmp0:
0x1c4: {  	v7 =	vmax.f32 v7, v3;
	v3, _, _ =	vpop (xrf2);
	(xrf1) =	vsort.dscd.msk.f32 $0xffff, v5, v5;
	(pc) =	sbr.rel @p0 .LBB2_2-.Ltmp0, $4  }
0x1c5: {  	v5, _, _ =	vpop (xrf1);
	(xrf1) =	vsort.dscd.msk.f32 $0xffff, v7, v7  }
0x1c6: {  	v6, _, _ =	vpop (xrf1)  }
0x1c7: {  	v6 =	vmin.f32 v5, v6;
	v5, _, _ =	vpop (xrf2)  }
0x1c8: {  	s14 =	sadd.s32 $0x100, s14;
	(xrf1) =	vsort.dscd.msk.f32 $0xffff, v6, v6  }
0x1c9: {  	_ =	sdelay $0x2  }
0x1ca: {  	v6, _, _ =	vpop (xrf1)  }
0x1cb: {  	v7, _, _ =	vpop (xrf1)  }
0x1cc: {  	v8, _, _ =	vpop (xrf1)  }
0x1cd: {  	v9, _, _ =	vpop (xrf1)  }
0x1ce: {  	v10, _, _ =	vpop (xrf1)  }
0x1cf: {  	v12, _, _ =	vpop (xrf1)  }
0x1d0: {  	v6 =	vmin.f32 v6, v7;
	v40, _, _ =	vpop (xrf1)  }
0x1d1: {  	(xrf1) =	vsort.ascd.msk.f32 $0xffff, v6, v6;
	v41 =	vmax.f32 v8, v9;
	v42, _, _ =	vpop (xrf1)  }
0x1d2: {  	(xrf1) =	vsort.ascd.msk.f32 $0xffff, v41, v41;
	v8 =	vmax.f32 v12, v42  }
0x1d3: {  	(xrf1) =	vsort.dscd.msk.f32 $0xffff, v8, v8;
	_ =	sdelay $0x9  }
0x1d4: {  	(xrf2) =	vadd.scan.msk.f32 $0xffff, v4  }
0x1d5: {  	(xrf2) =	vadd.scan.msk.f32 $0xffff, v11;
	v43, _, _ =	vpop (xrf1)  }
0x1d6: {  	(xrf2) =	vadd.scan.msk.f32 $0xffff, v2;
	v44, _, _ =	vpop (xrf1)  }
0x1d7: {  	v45 =	vmin.f32 v43, v44;
	v46, _, _ =	vpop (xrf1)  }
0x1d8: {  	v47 =	vmax.f32 v10, v40;
	(xrf2) =	vadd.scan.msk.f32 $0xffff, v45;
	v48, _, _ =	vpop (xrf1)  }
0x1d9: {  	(xrf2) =	vadd.scan.msk.f32 $0xffff, v47;
	v2 =	vmax.f32 v46, v48  }
0x1da: {  	(xrf2) =	vadd.scan.msk.f32 $0xffff, v2;
	_ =	sdelay $0x2  }
0x1db: {  	v49, _, _ =	vpop (xrf2)  }
0x1dc: {  	v50, _, _ =	vpop (xrf2)  }
0x1dd: {  	v51, _, _ =	vpop (xrf2)  }
0x1de: {  	v3 =	vbroadcast v3, $0xF;
	v52, _, _ =	vpop (xrf2)  }
0x1df: {  	v53 =	vbroadcast v50, $0xF;
	v56 =	vbroadcast v52, $0xF  }
0x1e0: {  	v5 =	vbroadcast v5, $0xF;
	v3 =	vnsel vm0, $0x0, v3;
	v2 =	vbroadcast v49, $0xF;
	v54, _, _ =	vpop (xrf2)  }
0x1e1: {  	v55 =	vbroadcast v51, $0xF;
	v1 =	vsel vm1, v1, v53;
	v0 =	vsel vm2, v0, v56;
	v57, _, _ =	vpop (xrf2)  }
0x1e2: {  	v2 =	vsel vm1, v3, v2;
	v58 =	vbroadcast v54, $0xF;
	v59 =	vbroadcast v57, $0xF;
	v60, _, _ =	vpop (xrf2)  }
0x1e3: {  	s9 =	sadd.s32 $0x100, s11;
	v61 =	vnsel vm0, $0x0, v55;
	[tilespmem:s10+$0x0] =	vst v0;
	v2 =	vsel vm2, v2, v5;
	v62 =	vbroadcast v60, $0xF  }
0x1e4: {  	s8 =	sadd.s32 $0x1, s8;
	[tilespmem:s9+$0xFFFFFF80] =	vst v2;
	v63 =	vsel vm1, v61, v58;
	v1 =	vsel vm2, v1, v59  }
0x1e5: {  	p0 =	sne.s32 s8, s5;
	[tilespmem:s12+$0x0] =	vst v1;
	v0 =	vsel vm2, v63, v62  }
.Ltmp1:
0x1e6: {  	[tilespmem:s9+$0x0] =	vst v0;
	(pc) =	sbr.rel @p0 .LBB2_1-.Ltmp1, $4  }
0x1e7: {  	[hbm4b:s4+s2] =	stream.linear.scatter [tilespmem:s7], [sflag:$0x1], $0x1000, $0x38;
	[tilespmem:$0x3000] =	vst v63  }
0x1e8: {  	_ =	swait.ge [sflag:s6], $0x1000  }
0x1e9: {  	[sflag:s6] =	ssyncset.done $0x0  }
0x1ea: {  	[sflag:s6] =	ssyncadd.s32 $0xFFFFF000  }
0x1eb: {  	_ =	sfence.sel $0x180000  }
0x1ec: {  	[bflag:$0x0] =	sbarrier.arrive $0xFFFF  }
0x1ed: {  	p0 =	sne.s32 s1, $0x0;
	_ =	strace $0x90000047  }
0x1ee: {  	s0 =	sadd.s32 @!p0 $0x100000, s0;
	[bflag:$0x2] =	sbarrier.arrive $0xFFFF  }
0x1ef: {  	[sflag:s0] =	ssyncadd.tile.s32 @!p0 $0x1;
	_ =	shalt  }
.Lfunc_end2:
_tile_overlayer_lowered:
.L_overlay_start_2:
0x1f0: {  	(tag) =	ssettag $0x2  }
0x1f1: {  	s0 =	rddreg [dreg:$0x0];
	s2 =	stileid.u32  }
0x1f2: {  	s1 =	rddreg [dreg:$0x1];
	p0 =	sne.s32 s2, $0x0  }
0x1f3: {  	s3 =	rddreg [dreg:$0x2];
	[bflag:$0x3] =	sbarrier.arrive $0xFFFF;
	s2 =	simm.s32 @!p0 $0x1C01  }
0x1f4: {  	[timem:s3], [sflag:s2] =	dma.local @!p0 [hbm:s0], s1  }
0x1f5: {  	s0 =	simm.s32 @!p0 $0x1  }
0x1f6: {  	_ =	swait.ge @!p0 [sflag:s0], s1  }
0x1f7: {  	s1 =	ssub.s32 @!p0 $0x0, s1;
	[sflag:s0] =	ssyncset.done @!p0 $0x0  }
0x1f8: {  	[sflag:s0] =	ssyncadd.s32 @!p0 s1  }
0x1f9: {  	[bflag:$0x3] =	sbarrier.arrive $0xFFFF  }
0x1fa: {  	_ =	shalt  }

</sc_bundles>
